<compile_context>
chip_gen: v7x
topology: tpu7x:2x2x1
jax: 0.10.2.dev20260603
libtpu: 0.0.44.dev20260713+nightly
codegen_flags: <defaults>
</compile_context>

<pallas_src>
import functools

import jax
import jax.numpy as jnp
from jax import lax
from jax.experimental import pallas as pl
from jax.experimental.pallas import tpu as pltpu
from jax.experimental.pallas import tpu_sc as plsc

B = 8
N = 4096
G = 1024
K = 16
DF = 128
DX = 256
DC = 144
D1 = 256
D2 = 256
P = B * G * K

NC, NS = 2, 16
NW = NC * NS
BPW = P // NW
SC_CH = 128
SC_NCH = BPW // SC_CH


def _fps_body(pr, cc_r):
    iota_nf = lax.broadcasted_iota(jnp.int32, (B, N), 1).astype(jnp.float32)
    iota_g = lax.broadcasted_iota(jnp.int32, (3 * B, G), 1)
    cc_r[...] = jnp.zeros((3 * B, G), jnp.float32)
    XYZ = pr[...]
    X = XYZ[0:B]
    Y = XYZ[B:2 * B]
    Z = XYZ[2 * B:3 * B]

    def step(i, carry):
        far, Dp = carry
        m2 = iota_nf == far
        cx = jnp.sum(jnp.where(m2, X, 0.0), 1, keepdims=True)
        cy = jnp.sum(jnp.where(m2, Y, 0.0), 1, keepdims=True)
        cz = jnp.sum(jnp.where(m2, Z, 0.0), 1, keepdims=True)
        csum = jnp.concatenate([cx, cy, cz], 0)
        cc_r[...] = jnp.where(iota_g == i, csum, cc_r[...])
        dx = X - cx
        dy = Y - cy
        dz = Z - cz
        dist = (dx * dx + dz * dz) + dy * dy
        D = jnp.minimum(Dp, dist)
        mx = jnp.max(D, 1, keepdims=True)
        farn = jnp.min(jnp.where(D == mx, iota_nf, float(N)), 1, keepdims=True)
        return farn, D

    lax.fori_loop(0, G, step, (jnp.zeros((B, 1), jnp.float32),
                               jnp.full((B, N), 1e10, jnp.float32)))


def _run_fps(pstk):
    return pl.pallas_call(
        _fps_body,
        grid=(1,),
        in_specs=[pl.BlockSpec((3 * B, N), lambda i: (0, 0))],
        out_specs=pl.BlockSpec((3 * B, G), lambda i: (0, 0)),
        out_shape=jax.ShapeDtypeStruct((3 * B, G), jnp.float32),
    )(pstk)


GT = 128


def _knn_body(q_r, p_r, out_r, dist_r):
    b = pl.program_id(0)
    q = q_r[0]
    p = p_r[0]
    qp = lax.dot_general(q, p, (((1,), (0,)), ((), ())),
                         preferred_element_type=jnp.float32)
    px = p[0:1, :]; py = p[1:2, :]; pz = p[2:3, :]
    qx = q[:, 0:1]; qy = q[:, 1:2]; qz = q[:, 2:3]
    sq_p = px * px + py * py + pz * pz
    sq_c = qx * qx + qy * qy + qz * qz
    dist_r[...] = sq_c + sq_p - 2.0 * qp
    iota_f = lax.broadcasted_iota(jnp.int32, (GT, N), 1).astype(jnp.float32)
    base = b * N
    cand = dist_r[...]
    for j in range(K):
        m = jnp.min(cand, 1, keepdims=True)
        sf = jnp.min(jnp.where(cand == m, iota_f, float(N)), 1, keepdims=True)
        out_r[0, :, j:j + 1] = sf.astype(jnp.int32) + base
        cand = jnp.where(iota_f == sf, jnp.inf, cand)


def _run_knn(qpad, ppad):
    return pl.pallas_call(
        _knn_body,
        grid=(B, G // GT),
        in_specs=[
            pl.BlockSpec((1, GT, 4), lambda b, g: (b, g, 0)),
            pl.BlockSpec((1, 4, N), lambda b, g: (b, 0, 0)),
        ],
        out_specs=pl.BlockSpec((1, GT, K), lambda b, g: (b, g, 0)),
        out_shape=jax.ShapeDtypeStruct((B, G, K), jnp.int32),
        scratch_shapes=[pltpu.VMEM((GT, N), jnp.float32)],
    )(qpad, ppad)


def _sc_gather_body(tbl_hbm, idx_hbm, out_hbm, idx_v, rows_v, sem):
    wid = lax.axis_index("s") * NC + lax.axis_index("c")
    row0 = wid * SC_NCH
    pltpu.sync_copy(idx_hbm.at[pl.ds(row0, SC_NCH)], idx_v)

    def chunk(i, carry):
        pltpu.async_copy(tbl_hbm.at[idx_v.at[i]], rows_v, sem).wait()
        pltpu.sync_copy(rows_v, out_hbm.at[pl.ds(wid * BPW + i * SC_CH, SC_CH)])
        return carry

    lax.fori_loop(0, SC_NCH, chunk, 0)


def _run_sc_gather(tbl, idx2d):
    mesh = plsc.VectorSubcoreMesh(core_axis_name="c", subcore_axis_name="s")
    f = functools.partial(
        pl.kernel,
        mesh=mesh,
        out_type=jax.ShapeDtypeStruct((P, DX), jnp.float32),
        scratch_types=[
            pltpu.VMEM((SC_NCH, SC_CH), jnp.int32),
            pltpu.VMEM((SC_CH, DX), jnp.float32),
            pltpu.SemaphoreType.DMA,
        ],
    )(_sc_gather_body)
    return f(tbl, idx2d)


PT = 512
NPT = P // PT


def _stats_body(g_r, c_r, m_r, s_r):
    xf = g_r[:, 0:DF]
    xc = g_r[:, DF:DC] - c_r[...]
    X = jnp.concatenate([xf, xc], axis=1)

    @pl.when(pl.program_id(0) == 0)
    def _():
        m_r[...] = jnp.zeros((DC, DC), jnp.float32)
        s_r[...] = jnp.zeros((1, DC), jnp.float32)

    m_r[...] += lax.dot_general(X, X, (((0,), (0,)), ((), ())),
                                preferred_element_type=jnp.float32)
    s_r[...] += jnp.sum(X, 0, keepdims=True)


def _run_stats(gath, crep):
    return pl.pallas_call(
        _stats_body,
        grid=(NPT,),
        in_specs=[
            pl.BlockSpec((PT, DX), lambda i: (i, 0)),
            pl.BlockSpec((PT, K), lambda i: (i, 0)),
        ],
        out_specs=[
            pl.BlockSpec((DC, DC), lambda i: (0, 0)),
            pl.BlockSpec((1, DC), lambda i: (0, 0)),
        ],
        out_shape=[
            jax.ShapeDtypeStruct((DC, DC), jnp.float32),
            jax.ShapeDtypeStruct((1, DC), jnp.float32),
        ],
    )(gath, crep)


def _mlp_body(g_r, c_r, w0_r, b0_r, w1_r, b1_r, km_r, ss_r, sq_r):
    xf = g_r[:, 0:DF]
    xc = g_r[:, DF:DC] - c_r[...]
    X = jnp.concatenate([xf, xc], axis=1)
    y1 = lax.dot_general(X, w0_r[...], (((1,), (0,)), ((), ())),
                         preferred_element_type=jnp.float32) + b0_r[...]
    x2 = jnp.maximum(y1, 0.0)
    y2 = lax.dot_general(x2, w1_r[...], (((1,), (0,)), ((), ())),
                         preferred_element_type=jnp.float32) + b1_r[...]

    @pl.when(pl.program_id(0) == 0)
    def _():
        ss_r[...] = jnp.zeros((1, D2), jnp.float32)
        sq_r[...] = jnp.zeros((1, D2), jnp.float32)

    ss_r[...] += jnp.sum(y2, 0, keepdims=True)
    sq_r[...] += jnp.sum(y2 * y2, 0, keepdims=True)
    km_r[...] = jnp.max(y2.reshape(PT // K, K, D2), axis=1)


def _run_mlp(gath, crep, w0s, b0s, w1t, b1):
    return pl.pallas_call(
        _mlp_body,
        grid=(NPT,),
        in_specs=[
            pl.BlockSpec((PT, DX), lambda i: (i, 0)),
            pl.BlockSpec((PT, K), lambda i: (i, 0)),
            pl.BlockSpec((DC, D1), lambda i: (0, 0)),
            pl.BlockSpec((1, D1), lambda i: (0, 0)),
            pl.BlockSpec((D1, D2), lambda i: (0, 0)),
            pl.BlockSpec((1, D2), lambda i: (0, 0)),
        ],
        out_specs=[
            pl.BlockSpec((PT // K, D2), lambda i: (i, 0)),
            pl.BlockSpec((1, D2), lambda i: (0, 0)),
            pl.BlockSpec((1, D2), lambda i: (0, 0)),
        ],
        out_shape=[
            jax.ShapeDtypeStruct((B * G, D2), jnp.float32),
            jax.ShapeDtypeStruct((1, D2), jnp.float32),
            jax.ShapeDtypeStruct((1, D2), jnp.float32),
        ],
    )(gath, crep, w0s, b0s, w1t, b1)


FT = 2048


def _final_body(km_r, a_r, c_r, o_r):
    o_r[...] = jnp.maximum(a_r[...] * km_r[...] + c_r[...], 0.0)


def _run_final(km, a2, c2):
    return pl.pallas_call(
        _final_body,
        grid=(B * G // FT,),
        in_specs=[
            pl.BlockSpec((FT, D2), lambda i: (i, 0)),
            pl.BlockSpec((1, D2), lambda i: (0, 0)),
            pl.BlockSpec((1, D2), lambda i: (0, 0)),
        ],
        out_specs=pl.BlockSpec((FT, D2), lambda i: (i, 0)),
        out_shape=jax.ShapeDtypeStruct((B * G, D2), jnp.float32),
    )(km, a2, c2)


def kernel(feature, coord, W0, b0, g0, be0, W1, b1, g1, be1):
    pstk = jnp.concatenate(
        [coord[..., 0], coord[..., 1], coord[..., 2]], axis=0)
    ccs = _run_fps(pstk)
    cx, cy, cz = ccs[0:B], ccs[B:2 * B], ccs[2 * B:3 * B]
    center_coord = jnp.stack([cx, cy, cz], axis=-1)

    qpad = jnp.stack([cx, cy, cz, jnp.zeros_like(cx)], axis=-1)
    ppad = jnp.concatenate(
        [coord.transpose(0, 2, 1),
         jnp.zeros((B, 1, N), jnp.float32)], axis=1)
    nidx = _run_knn(qpad, ppad)

    tbl = jnp.concatenate(
        [feature.reshape(B * N, DF),
         coord.reshape(B * N, 3),
         jnp.zeros((B * N, DX - DF - 3), jnp.float32)], axis=1)
    idx2d = nidx.reshape(P // SC_CH, SC_CH)
    gath = _run_sc_gather(tbl, idx2d)

    crep = jnp.pad(
        jnp.repeat(center_coord.reshape(B * G, 3), K, axis=0),
        ((0, 0), (0, K - 3)))

    M, s = _run_stats(gath, crep)
    s = s[0]
    W0T = jnp.concatenate(
        [W0[:, 3:131].T, W0[:, 0:3].T,
         jnp.zeros((DC - 131, D1), jnp.float32)], axis=0)
    sw = s @ W0T
    mu1 = sw / P + b0
    Ey2 = jnp.sum((M @ W0T) * W0T, 0) / P + 2.0 * b0 * sw / P + b0 * b0
    var1 = Ey2 - mu1 * mu1
    a0 = g0 / jnp.sqrt(var1 + 1e-5)
    c0 = be0 - a0 * mu1
    w0s = W0T * a0[None, :]
    b0s = (a0 * b0 + c0)[None, :]

    km, ssum, ssq = _run_mlp(gath, crep, w0s, b0s, W1.T, b1[None, :])
    m2 = ssum[0] / P
    v2 = ssq[0] / P - m2 * m2
    a2 = g1 / jnp.sqrt(v2 + 1e-5)
    c2 = be1 - a2 * m2

    out = _run_final(km, a2[None, :], c2[None, :])
    return out.reshape(B, G, D2), center_coord

# --- scband reference (transcript-rebuilt; emitter-appended) ---
"""Pipeline reference for scband-transition-down-35656818492086 (READ-ONLY COPY).

The authoritative reference and input builder live on the scoring server;
editing this copy changes nothing except your own understanding.
"""

import jax, jax.numpy as jnp
import numpy as np

N_GROUP = 1024
K_GROUP = 16

def index_points(points, idx):
    return jax.vmap(lambda p, i: p[i])(points, idx)

def farthest_point_sample(coord, n_sample):
    coord = jax.lax.stop_gradient(coord)
    B, N, _ = coord.shape
    distance = jnp.full((B, N), 1e10, dtype=coord.dtype)
    farthest = jnp.zeros((B,), dtype=jnp.int32)
    def step(state, _):
        distance, farthest = state
        centroid = jax.vmap(lambda p, i: p[i])(coord, farthest)
        dist = jnp.sum((coord - centroid[:, None, :]) ** 2, axis=-1)
        distance = jnp.minimum(distance, dist)
        new_far = jnp.argmax(distance, axis=-1).astype(jnp.int32)
        return (distance, new_far), farthest
    _, cent = jax.lax.scan(step, (distance, farthest), None, length=n_sample)
    return jnp.transpose(cent)

def knn_points(coord, center, k):
    c = jax.lax.stop_gradient(coord)
    q = jax.lax.stop_gradient(center)
    sq_p = jnp.sum(c ** 2, axis=-1)[:, None, :]
    sq_c = jnp.sum(q ** 2, axis=-1)[:, :, None]
    dist = sq_c + sq_p - 2.0 * jnp.einsum('bgd,bnd->bgn', q, c)
    _, idx = jax.lax.top_k(-dist, k)
    return idx

def point_conv_bn(x, W, b, gamma, beta):
    y = jnp.einsum('oc,bcgk->bogk', W, x) + b[None, :, None, None]
    mean = jnp.mean(y, axis=(0, 2, 3), keepdims=True)
    var = jnp.var(y, axis=(0, 2, 3), keepdims=True)
    y = (y - mean) / jnp.sqrt(var + 1e-5)
    y = gamma[None, :, None, None] * y + beta[None, :, None, None]
    return jax.nn.relu(y)

def setup_inputs(seed: int = 0):
    key = jax.random.key(seed)
    ks = jax.random.split(key, 8)
    B, N, d_feat = 8, 4096, 128
    feature = jax.random.normal(ks[0], (B, N, d_feat), dtype=jnp.float32)
    coord = jax.random.uniform(ks[1], (B, N, 3), dtype=jnp.float32)
    d0, d1, d2 = 131, 256, 256
    W0 = jax.random.normal(ks[2], (d1, d0), dtype=jnp.float32) * (2.0 / d0) ** 0.5
    b0 = jnp.zeros((d1,), dtype=jnp.float32)
    g0 = jnp.ones((d1,), dtype=jnp.float32)
    be0 = jnp.zeros((d1,), dtype=jnp.float32)
    W1 = jax.random.normal(ks[3], (d2, d1), dtype=jnp.float32) * (2.0 / d1) ** 0.5
    b1 = jnp.zeros((d2,), dtype=jnp.float32)
    g1 = jnp.ones((d2,), dtype=jnp.float32)
    be1 = jnp.zeros((d2,), dtype=jnp.float32)
    return {"feature": feature, "coord": coord, "W0": W0, "b0": b0, "g0": g0, "be0": be0, "W1": W1, "b1": b1, "g1": g1, "be1": be1}

def reference(feature, coord, W0, b0, g0, be0, W1, b1, g1, be1):
    center_idx = farthest_point_sample(coord, N_GROUP)
    center_coord = index_points(coord, center_idx)
    neigh_idx = knn_points(coord, center_coord, K_GROUP)
    neigh_coord = index_points(coord, neigh_idx) - center_coord[:, :, None, :]
    neigh_feature = jnp.concatenate([neigh_coord, index_points(feature, neigh_idx)], axis=-1)
    x = jnp.transpose(neigh_feature, (0, 3, 1, 2))
    x = point_conv_bn(x, W0, b0, g0, be0)
    x = point_conv_bn(x, W1, b1, g1, be1)
    x = jnp.transpose(x, (0, 2, 3, 1))
    center_feature = jnp.max(x, axis=2)
    return center_feature, center_coord

if __name__ == "__main__":
    import jax
    _d = setup_inputs()
    print(jax.jit(kernel)(*tuple(_d.values())))

</pallas_src>

<mosaic_0001>
#map = affine_map<(d0, d1) -> (0, 0)>
module attributes {stable_mosaic.version = 14 : i64} {
  func.func @_sc_gather_body(%arg0: i32, %arg1: i32, %arg2: memref<32768x256xf32, #tpu.memory_space<hbm>>, %arg3: memref<1024x128xi32, #tpu.memory_space<hbm>>, %arg4: memref<131072x256xf32, #tpu.memory_space<hbm>>, %arg5: memref<32x128xi32, #tpu.memory_space<vmem>>, %arg6: memref<128x256xf32, #tpu.memory_space<vmem>>, %arg7: memref<!tpu.dma_semaphore, #tpu.memory_space<semaphore_mem>>) attributes {dimension_semantics = [#tpu.dimension_semantics<core_parallel>, #tpu.dimension_semantics<subcore_parallel>], iteration_bounds = array<i64: 2, 16>, scalar_prefetch = 0 : i64, scratch_operands = 3 : i64, tpu.core_type = #tpu.core_type<sc_vector_subcore>, window_params = [{transform_indices = #map}, {transform_indices = #map}, {transform_indices = #map}]} {
    %mul3A = arith.constant 2 : i32
    %mul3A_0 = arith.muli %arg1, %mul3A : i32
    %add3A = arith.addi %mul3A_0, %arg0 : i32
    %mul3A_1 = arith.constant 32 : i32
    %mul3A_2 = arith.muli %add3A, %mul3A_1 : i32
    "tpu.region"() ({
      %run_scoped3A = tpu.sem_alloc : memref<!tpu.dma_semaphore, #tpu.memory_space<semaphore_mem>>
      %dma_start3A = arith.constant 0 : i32
      %dma_start3A_8 = tpu.memref_slice %arg3[%mul3A_2, %dma_start3A] : memref<1024x128xi32, #tpu.memory_space<hbm>> -> memref<32x128xi32, #tpu.memory_space<hbm>>
      %dma_start3A_9 = arith.constant 0 : i32
      %dma_start3A_10 = tpu.memref_slice %arg3[%mul3A_2, %dma_start3A_9] : memref<1024x128xi32, #tpu.memory_space<hbm>> -> memref<32x128xi32, #tpu.memory_space<hbm>>
      tpu.enqueue_dma source(%dma_start3A_10 : memref<32x128xi32, #tpu.memory_space<hbm>>) target(%arg5 : memref<32x128xi32, #tpu.memory_space<vmem>>) target_semaphore(%run_scoped3A : memref<!tpu.dma_semaphore, #tpu.memory_space<semaphore_mem>>)
      %dma_wait3A = arith.constant 0 : i32
      %dma_wait3A_11 = tpu.memref_slice %arg3[%mul3A_2, %dma_wait3A] : memref<1024x128xi32, #tpu.memory_space<hbm>> -> memref<32x128xi32, #tpu.memory_space<hbm>>
      %dma_wait3A_12 = arith.constant 0 : i32
      %dma_wait3A_13 = tpu.memref_slice %arg3[%mul3A_2, %dma_wait3A_12] : memref<1024x128xi32, #tpu.memory_space<hbm>> -> memref<32x128xi32, #tpu.memory_space<hbm>>
      tpu.wait_dma2 semaphore(%run_scoped3A : memref<!tpu.dma_semaphore, #tpu.memory_space<semaphore_mem>>) src(%dma_wait3A_13 : memref<32x128xi32, #tpu.memory_space<hbm>>) dst(%arg5 : memref<32x128xi32, #tpu.memory_space<vmem>>)
      tpu.yield
    }) : () -> ()
    %scan3A = arith.constant 0 : i32
    %scan3A_3 = arith.constant 0 : i32
    %scan3A_4 = arith.constant 32 : i32
    %scan3A_5 = arith.addi %scan3A_3, %scan3A_4 : i32
    %scan3A_6 = arith.constant 1 : i32
    scf.for %scan3A_8 = %scan3A_3 to %scan3A_5 step %scan3A_6  : i32 {
      %dma_start3A = arith.constant 0 : i32
      %dma_start3A_9 = tpu.memref_slice %arg5[%scan3A_8, %dma_start3A] : memref<32x128xi32, #tpu.memory_space<vmem>> -> memref<1x128xi32, #tpu.memory_space<vmem>>
      %dma_start3A_10 = tpu.memref_squeeze %dma_start3A_9 : memref<1x128xi32, #tpu.memory_space<vmem>> -> memref<128xi32, #tpu.memory_space<vmem>>
      %dma_start3A_11 = arith.constant 0 : i32
      %dma_start3A_12 = arith.constant 0 : i32
      %dma_start3A_13 = tpu.memref_slice %arg2[%dma_start3A_11, %dma_start3A_12] : memref<32768x256xf32, #tpu.memory_space<hbm>> -> memref<32768x256xf32, #tpu.memory_space<hbm>>
      tpu.enqueue_indirect_dma source(%dma_start3A_13 : memref<32768x256xf32, #tpu.memory_space<hbm>>) target(%arg6 : memref<128x256xf32, #tpu.memory_space<vmem>>) offsets(%dma_start3A_10 : memref<128xi32, #tpu.memory_space<vmem>>) semaphore(%arg7 : memref<!tpu.dma_semaphore, #tpu.memory_space<semaphore_mem>>)
      %dma_wait3A = arith.constant 0 : i32
      %dma_wait3A_14 = tpu.memref_slice %arg5[%scan3A_8, %dma_wait3A] : memref<32x128xi32, #tpu.memory_space<vmem>> -> memref<1x128xi32, #tpu.memory_space<vmem>>
      %dma_wait3A_15 = tpu.memref_squeeze %dma_wait3A_14 : memref<1x128xi32, #tpu.memory_space<vmem>> -> memref<128xi32, #tpu.memory_space<vmem>>
      %dma_wait3A_16 = arith.constant 0 : i32
      %dma_wait3A_17 = arith.constant 0 : i32
      %dma_wait3A_18 = tpu.memref_slice %arg2[%dma_wait3A_16, %dma_wait3A_17] : memref<32768x256xf32, #tpu.memory_space<hbm>> -> memref<32768x256xf32, #tpu.memory_space<hbm>>
      tpu.wait_indirect_dma semaphore(%arg7 : memref<!tpu.dma_semaphore, #tpu.memory_space<semaphore_mem>>) src(%dma_wait3A_18 : memref<32768x256xf32, #tpu.memory_space<hbm>>) dst(%arg6 : memref<128x256xf32, #tpu.memory_space<vmem>>)
      %mul3A_19 = arith.constant 4096 : i32
      %mul3A_20 = arith.muli %add3A, %mul3A_19 : i32
      %mul3A_21 = arith.constant 128 : i32
      %mul3A_22 = arith.muli %scan3A_8, %mul3A_21 : i32
      %add3A_23 = arith.addi %mul3A_20, %mul3A_22 : i32
      "tpu.region"() ({
        %run_scoped3A = tpu.sem_alloc : memref<!tpu.dma_semaphore, #tpu.memory_space<semaphore_mem>>
        %dma_start3A_24 = arith.constant 0 : i32
        %dma_start3A_25 = tpu.memref_slice %arg4[%add3A_23, %dma_start3A_24] : memref<131072x256xf32, #tpu.memory_space<hbm>> -> memref<128x256xf32, #tpu.memory_space<hbm>>
        %dma_start3A_26 = arith.constant 0 : i32
        %dma_start3A_27 = tpu.memref_slice %arg4[%add3A_23, %dma_start3A_26] : memref<131072x256xf32, #tpu.memory_space<hbm>> -> memref<128x256xf32, #tpu.memory_space<hbm>>
        tpu.enqueue_dma source(%arg6 : memref<128x256xf32, #tpu.memory_space<vmem>>) target(%dma_start3A_27 : memref<128x256xf32, #tpu.memory_space<hbm>>) target_semaphore(%run_scoped3A : memref<!tpu.dma_semaphore, #tpu.memory_space<semaphore_mem>>)
        %dma_wait3A_28 = arith.constant 0 : i32
        %dma_wait3A_29 = tpu.memref_slice %arg4[%add3A_23, %dma_wait3A_28] : memref<131072x256xf32, #tpu.memory_space<hbm>> -> memref<128x256xf32, #tpu.memory_space<hbm>>
        %dma_wait3A_30 = arith.constant 0 : i32
        %dma_wait3A_31 = tpu.memref_slice %arg4[%add3A_23, %dma_wait3A_30] : memref<131072x256xf32, #tpu.memory_space<hbm>> -> memref<128x256xf32, #tpu.memory_space<hbm>>
        tpu.wait_dma2 semaphore(%run_scoped3A : memref<!tpu.dma_semaphore, #tpu.memory_space<semaphore_mem>>) src(%arg6 : memref<128x256xf32, #tpu.memory_space<vmem>>) dst(%dma_wait3A_31 : memref<128x256xf32, #tpu.memory_space<hbm>>)
        tpu.yield
      }) : () -> ()
    }
    %scan3A_7 = arith.constant 32 : i32
    return
  }
}

module attributes {stable_mosaic.version = 14 : i64} {
  func.func @_fps_body(%arg0: i32, %arg1: memref<24x4096xf32, #tpu.memory_space<vmem>>, %arg2: memref<24x1024xf32, #tpu.memory_space<vmem>>) attributes {dimension_semantics = [#tpu.dimension_semantics<arbitrary>], iteration_bounds = array<i64: 1>, scalar_prefetch = 0 : i64, scratch_operands = 0 : i64, tpu.core_type = #tpu.core_type<tc>, window_params = [{pipeline_mode = #tpu.pipeline_mode<synchronous>, transform_indices = @transform_0, window_bounds = array<i64: 24, 4096>}, {pipeline_mode = #tpu.pipeline_mode<synchronous>, transform_indices = @transform_1, window_bounds = array<i64: 24, 1024>}]} {
    %iota3A = tpu.iota {dimensions = array<i32: 1>} : vector<8x4096xi32>
    %convert_element_type3A = arith.sitofp %iota3A : vector<8x4096xi32> to vector<8x4096xf32>
    %iota3A_0 = tpu.iota {dimensions = array<i32: 1>} : vector<24x1024xi32>
    %broadcast_in_dim3A = arith.constant 0.000000e+00 : f32
    %broadcast_in_dim3A_1 = vector.broadcast %broadcast_in_dim3A : f32 to vector<24x1024xf32>
    %swap3A = arith.constant 0 : index
    %swap3A_2 = arith.constant 0 : index
    %swap3A_3 = vector.load %arg2[%swap3A, %swap3A_2] : memref<24x1024xf32, #tpu.memory_space<vmem>>, vector<24x1024xf32>
    tpu.vector_store %arg2[%swap3A, %swap3A_2], %broadcast_in_dim3A_1 {strides = array<i32>} : memref<24x1024xf32, #tpu.memory_space<vmem>>, vector<24x1024xf32>,
    %get3A = arith.constant 0 : index
    %get3A_4 = arith.constant 0 : index
    %get3A_5 = vector.load %arg1[%get3A, %get3A_4] : memref<24x4096xf32, #tpu.memory_space<vmem>>, vector<24x4096xf32>
    %slice3A = vector.extract_strided_slice %get3A_5 {offsets = [0, 0], sizes = [8, 4096], strides = [1, 1]} : vector<24x4096xf32> to vector<8x4096xf32>
    %slice3A_6 = vector.extract_strided_slice %get3A_5 {offsets = [8, 0], sizes = [8, 4096], strides = [1, 1]} : vector<24x4096xf32> to vector<8x4096xf32>
    %slice3A_7 = vector.extract_strided_slice %get3A_5 {offsets = [16, 0], sizes = [8, 4096], strides = [1, 1]} : vector<24x4096xf32> to vector<8x4096xf32>
    %broadcast_in_dim3A_8 = arith.constant 0.000000e+00 : f32
    %broadcast_in_dim3A_9 = vector.broadcast %broadcast_in_dim3A_8 : f32 to vector<8x1xf32>
    %broadcast_in_dim3A_10 = arith.constant 1.000000e+10 : f32
    %broadcast_in_dim3A_11 = vector.broadcast %broadcast_in_dim3A_10 : f32 to vector<8x4096xf32>
    %scan3A = arith.constant 0 : i32
    %scan3A_12 = arith.constant 1024 : i32
    %scan3A_13 = arith.addi %scan3A, %scan3A_12 : i32
    %scan3A_14 = arith.constant 1 : i32
    %scan3A_15:2 = scf.for %scan3A_17 = %scan3A to %scan3A_13 step %scan3A_14 iter_args(%scan3A_18 = %broadcast_in_dim3A_9, %scan3A_19 = %broadcast_in_dim3A_11) -> (vector<8x1xf32>, vector<8x4096xf32>)  : i32 {
      %eq3A = vector.broadcast %scan3A_18 : vector<8x1xf32> to vector<8x4096xf32>
      %eq3A_20 = arith.cmpf oeq, %convert_element_type3A, %eq3A : vector<8x4096xf32>
      %jit3A = arith.constant 0.000000e+00 : f32
      %broadcast_in_dim3A_21 = vector.broadcast %jit3A : f32 to vector<8x4096xf32>
      %select_n3A = arith.select %eq3A_20, %slice3A, %broadcast_in_dim3A_21 : vector<8x4096xi1>, vector<8x4096xf32>
      %reduce_sum3A = arith.constant dense<0.000000e+00> : vector<8xf32>
      %reduce_sum3A_22 = vector.multi_reduction <add>, %select_n3A, %reduce_sum3A [1] : vector<8x4096xf32> to vector<8xf32>
      %broadcast_in_dim3A_23 = vector.shape_cast %reduce_sum3A_22 : vector<8xf32> to vector<8x1xf32>
      %jit3A_24 = arith.constant 0.000000e+00 : f32
      %broadcast_in_dim3A_25 = vector.broadcast %jit3A_24 : f32 to vector<8x4096xf32>
      %select_n3A_26 = arith.select %eq3A_20, %slice3A_6, %broadcast_in_dim3A_25 : vector<8x4096xi1>, vector<8x4096xf32>
      %reduce_sum3A_27 = arith.constant dense<0.000000e+00> : vector<8xf32>
      %reduce_sum3A_28 = vector.multi_reduction <add>, %select_n3A_26, %reduce_sum3A_27 [1] : vector<8x4096xf32> to vector<8xf32>
      %broadcast_in_dim3A_29 = vector.shape_cast %reduce_sum3A_28 : vector<8xf32> to vector<8x1xf32>
      %jit3A_30 = arith.constant 0.000000e+00 : f32
      %broadcast_in_dim3A_31 = vector.broadcast %jit3A_30 : f32 to vector<8x4096xf32>
      %select_n3A_32 = arith.select %eq3A_20, %slice3A_7, %broadcast_in_dim3A_31 : vector<8x4096xi1>, vector<8x4096xf32>
      %reduce_sum3A_33 = arith.constant dense<0.000000e+00> : vector<8xf32>
      %reduce_sum3A_34 = vector.multi_reduction <add>, %select_n3A_32, %reduce_sum3A_33 [1] : vector<8x4096xf32> to vector<8xf32>
      %broadcast_in_dim3A_35 = vector.shape_cast %reduce_sum3A_34 : vector<8xf32> to vector<8x1xf32>
      %concatenate3A = tpu.concatenate %broadcast_in_dim3A_23, %broadcast_in_dim3A_29, %broadcast_in_dim3A_35 in 0 : vector<8x1xf32>, vector<8x1xf32>, vector<8x1xf32> -> vector<24x1xf32>
      %eq3A_36 = vector.broadcast %scan3A_17 : i32 to vector<24x1024xi32>
      %eq3A_37 = arith.cmpi eq, %iota3A_0, %eq3A_36 : vector<24x1024xi32>
      %get3A_38 = arith.constant 0 : index
      %get3A_39 = arith.constant 0 : index
      %get3A_40 = vector.load %arg2[%get3A_38, %get3A_39] : memref<24x1024xf32, #tpu.memory_space<vmem>>, vector<24x1024xf32>
      %broadcast_in_dim3A_41 = vector.shape_cast %concatenate3A : vector<24x1xf32> to vector<24x1xf32>
      %broadcast_in_dim3A_42 = vector.broadcast %broadcast_in_dim3A_41 : vector<24x1xf32> to vector<24x1024xf32>
      %select_n3A_43 = arith.select %eq3A_37, %broadcast_in_dim3A_42, %get3A_40 : vector<24x1024xi1>, vector<24x1024xf32>
      %swap3A_44 = arith.constant 0 : index
      %swap3A_45 = arith.constant 0 : index
      %swap3A_46 = vector.load %arg2[%swap3A_44, %swap3A_45] : memref<24x1024xf32, #tpu.memory_space<vmem>>, vector<24x1024xf32>
      tpu.vector_store %arg2[%swap3A_44, %swap3A_45], %select_n3A_43 {strides = array<i32>} : memref<24x1024xf32, #tpu.memory_space<vmem>>, vector<24x1024xf32>,
      %sub3A = vector.broadcast %broadcast_in_dim3A_23 : vector<8x1xf32> to vector<8x4096xf32>
      %sub3A_47 = arith.subf %slice3A, %sub3A : vector<8x4096xf32>
      %sub3A_48 = vector.broadcast %broadcast_in_dim3A_29 : vector<8x1xf32> to vector<8x4096xf32>
      %sub3A_49 = arith.subf %slice3A_6, %sub3A_48 : vector<8x4096xf32>
      %sub3A_50 = vector.broadcast %broadcast_in_dim3A_35 : vector<8x1xf32> to vector<8x4096xf32>
      %sub3A_51 = arith.subf %slice3A_7, %sub3A_50 : vector<8x4096xf32>
      %mul3A = arith.mulf %sub3A_47, %sub3A_47 : vector<8x4096xf32>
      %mul3A_52 = arith.mulf %sub3A_51, %sub3A_51 : vector<8x4096xf32>
      %add3A = arith.addf %mul3A, %mul3A_52 : vector<8x4096xf32>
      %mul3A_53 = arith.mulf %sub3A_49, %sub3A_49 : vector<8x4096xf32>
      %add3A_54 = arith.addf %add3A, %mul3A_53 : vector<8x4096xf32>
      %min3A = arith.minimumf %scan3A_19, %add3A_54 : vector<8x4096xf32>
      %reduce_max3A = arith.constant dense<0xFF800000> : vector<8xf32>
      %reduce_max3A_55 = vector.multi_reduction <maximumf>, %min3A, %reduce_max3A [1] : vector<8x4096xf32> to vector<8xf32>
      %broadcast_in_dim3A_56 = vector.shape_cast %reduce_max3A_55 : vector<8xf32> to vector<8x1xf32>
      %eq3A_57 = vector.broadcast %broadcast_in_dim3A_56 : vector<8x1xf32> to vector<8x4096xf32>
      %eq3A_58 = arith.cmpf oeq, %min3A, %eq3A_57 : vector<8x4096xf32>
      %jit3A_59 = arith.constant 4.096000e+03 : f32
      %broadcast_in_dim3A_60 = vector.broadcast %jit3A_59 : f32 to vector<8x4096xf32>
      %select_n3A_61 = arith.select %eq3A_58, %convert_element_type3A, %broadcast_in_dim3A_60 : vector<8x4096xi1>, vector<8x4096xf32>
      %reduce_min3A = arith.constant dense<0x7F800000> : vector<8xf32>
      %reduce_min3A_62 = vector.multi_reduction <minimumf>, %select_n3A_61, %reduce_min3A [1] : vector<8x4096xf32> to vector<8xf32>
      %broadcast_in_dim3A_63 = vector.shape_cast %reduce_min3A_62 : vector<8xf32> to vector<8x1xf32>
      scf.yield %broadcast_in_dim3A_63, %min3A : vector<8x1xf32>, vector<8x4096xf32>
    }
    %scan3A_16 = arith.constant 1024 : i32
    return
  }
  func.func @transform_0(%arg0: i32) -> (i32, i32) {
    %c0_i32 = arith.constant 0 : i32
    %c0_i32_0 = arith.constant 0 : i32
    %c0_i32_1 = arith.constant 0 : i32
    return %c0_i32, %c0_i32_0 : i32, i32
  }
  func.func @transform_1(%arg0: i32) -> (i32, i32) {
    %c0_i32 = arith.constant 0 : i32
    %c0_i32_0 = arith.constant 0 : i32
    %c0_i32_1 = arith.constant 0 : i32
    return %c0_i32, %c0_i32_0 : i32, i32
  }
}

module attributes {stable_mosaic.version = 14 : i64} {
  func.func @_knn_body(%arg0: i32, %arg1: i32, %arg2: memref<1x128x4xf32, #tpu.memory_space<vmem>>, %arg3: memref<1x4x4096xf32, #tpu.memory_space<vmem>>, %arg4: memref<1x128x16xi32, #tpu.memory_space<vmem>>, %arg5: memref<128x4096xf32, #tpu.memory_space<vmem>>) attributes {dimension_semantics = [#tpu.dimension_semantics<arbitrary>, #tpu.dimension_semantics<arbitrary>], iteration_bounds = array<i64: 8, 8>, scalar_prefetch = 0 : i64, scratch_operands = 1 : i64, tpu.core_type = #tpu.core_type<tc>, window_params = [{transform_indices = @transform_0, window_bounds = array<i64: 1, 128, 4>}, {transform_indices = @transform_1, window_bounds = array<i64: 1, 4, 4096>}, {transform_indices = @transform_2, window_bounds = array<i64: 1, 128, 16>}]} {
    %get3A = arith.constant 0 : index
    %get3A_0 = arith.constant 0 : index
    %get3A_1 = arith.constant 0 : index
    %get3A_2 = vector.load %arg2[%get3A, %get3A_0, %get3A_1] : memref<1x128x4xf32, #tpu.memory_space<vmem>>, vector<1x128x4xf32>
    %get3A_3 = vector.shape_cast %get3A_2 : vector<1x128x4xf32> to vector<128x4xf32>
    %get3A_4 = arith.constant 0 : index
    %get3A_5 = arith.constant 0 : index
    %get3A_6 = arith.constant 0 : index
    %get3A_7 = vector.load %arg3[%get3A_4, %get3A_5, %get3A_6] : memref<1x4x4096xf32, #tpu.memory_space<vmem>>, vector<1x4x4096xf32>
    %get3A_8 = vector.shape_cast %get3A_7 : vector<1x4x4096xf32> to vector<4x4096xf32>
    %dot_general3A = arith.constant dense<0.000000e+00> : vector<128x4096xf32>
    %dot_general3A_9 = tpu.matmul %get3A_3, %get3A_8, %dot_general3A {dimension_numbers = #tpu.dot_dimension_numbers<[1], [0], [0], [1], [0, 0, 1, 1], [], []>, transpose_lhs_hint = false} : vector<128x4xf32>, vector<4x4096xf32>, vector<128x4096xf32> -> vector<128x4096xf32>
    %slice3A = vector.extract_strided_slice %get3A_8 {offsets = [0, 0], sizes = [1, 4096], strides = [1, 1]} : vector<4x4096xf32> to vector<1x4096xf32>
    %slice3A_10 = vector.extract_strided_slice %get3A_8 {offsets = [1, 0], sizes = [1, 4096], strides = [1, 1]} : vector<4x4096xf32> to vector<1x4096xf32>
    %slice3A_11 = vector.extract_strided_slice %get3A_8 {offsets = [2, 0], sizes = [1, 4096], strides = [1, 1]} : vector<4x4096xf32> to vector<1x4096xf32>
    %slice3A_12 = vector.extract_strided_slice %get3A_3 {offsets = [0, 0], sizes = [128, 1], strides = [1, 1]} : vector<128x4xf32> to vector<128x1xf32>
    %slice3A_13 = vector.extract_strided_slice %get3A_3 {offsets = [0, 1], sizes = [128, 1], strides = [1, 1]} : vector<128x4xf32> to vector<128x1xf32>
    %slice3A_14 = vector.extract_strided_slice %get3A_3 {offsets = [0, 2], sizes = [128, 1], strides = [1, 1]} : vector<128x4xf32> to vector<128x1xf32>
    %mul3A = arith.mulf %slice3A, %slice3A : vector<1x4096xf32>
    %mul3A_15 = arith.mulf %slice3A_10, %slice3A_10 : vector<1x4096xf32>
    %add3A = arith.addf %mul3A, %mul3A_15 : vector<1x4096xf32>
    %mul3A_16 = arith.mulf %slice3A_11, %slice3A_11 : vector<1x4096xf32>
    %add3A_17 = arith.addf %add3A, %mul3A_16 : vector<1x4096xf32>
    %mul3A_18 = arith.mulf %slice3A_12, %slice3A_12 : vector<128x1xf32>
    %mul3A_19 = arith.mulf %slice3A_13, %slice3A_13 : vector<128x1xf32>
    %add3A_20 = arith.addf %mul3A_18, %mul3A_19 : vector<128x1xf32>
    %mul3A_21 = arith.mulf %slice3A_14, %slice3A_14 : vector<128x1xf32>
    %add3A_22 = arith.addf %add3A_20, %mul3A_21 : vector<128x1xf32>
    %add3A_23 = vector.broadcast %add3A_22 : vector<128x1xf32> to vector<128x4096xf32>
    %add3A_24 = vector.broadcast %add3A_17 : vector<1x4096xf32> to vector<128x4096xf32>
    %add3A_25 = arith.addf %add3A_23, %add3A_24 : vector<128x4096xf32>
    %mul3A_26 = arith.constant 2.000000e+00 : f32
    %mul3A_27 = vector.broadcast %mul3A_26 : f32 to vector<128x4096xf32>
    %mul3A_28 = arith.mulf %mul3A_27, %dot_general3A_9 : vector<128x4096xf32>
    %sub3A = arith.subf %add3A_25, %mul3A_28 : vector<128x4096xf32>
    %swap3A = arith.constant 0 : index
    %swap3A_29 = arith.constant 0 : index
    %swap3A_30 = vector.load %arg5[%swap3A, %swap3A_29] : memref<128x4096xf32, #tpu.memory_space<vmem>>, vector<128x4096xf32>
    tpu.vector_store %arg5[%swap3A, %swap3A_29], %sub3A {strides = array<i32>} : memref<128x4096xf32, #tpu.memory_space<vmem>>, vector<128x4096xf32>,
    %iota3A = tpu.iota {dimensions = array<i32: 1>} : vector<128x4096xi32>
    %convert_element_type3A = arith.sitofp %iota3A : vector<128x4096xi32> to vector<128x4096xf32>
    %mul3A_31 = arith.constant 4096 : i32
    %mul3A_32 = arith.muli %arg0, %mul3A_31 : i32
    %get3A_33 = arith.constant 0 : index
    %get3A_34 = arith.constant 0 : index
    %get3A_35 = vector.load %arg5[%get3A_33, %get3A_34] : memref<128x4096xf32, #tpu.memory_space<vmem>>, vector<128x4096xf32>
    %reduce_min3A = arith.constant dense<0x7F800000> : vector<128xf32>
    %reduce_min3A_36 = vector.multi_reduction <minimumf>, %get3A_35, %reduce_min3A [1] : vector<128x4096xf32> to vector<128xf32>
    %broadcast_in_dim3A = vector.shape_cast %reduce_min3A_36 : vector<128xf32> to vector<128x1xf32>
    %eq3A = vector.broadcast %broadcast_in_dim3A : vector<128x1xf32> to vector<128x4096xf32>
    %eq3A_37 = arith.cmpf oeq, %get3A_35, %eq3A : vector<128x4096xf32>
    %jit3A = arith.constant 4.096000e+03 : f32
    %broadcast_in_dim3A_38 = vector.broadcast %jit3A : f32 to vector<128x4096xf32>
    %select_n3A = arith.select %eq3A_37, %convert_element_type3A, %broadcast_in_dim3A_38 : vector<128x4096xi1>, vector<128x4096xf32>
    %reduce_min3A_39 = arith.constant dense<0x7F800000> : vector<128xf32>
    %reduce_min3A_40 = vector.multi_reduction <minimumf>, %select_n3A, %reduce_min3A_39 [1] : vector<128x4096xf32> to vector<128xf32>
    %broadcast_in_dim3A_41 = vector.shape_cast %reduce_min3A_40 : vector<128xf32> to vector<128x1xf32>
    %convert_element_type3A_42 = arith.fptosi %broadcast_in_dim3A_41 : vector<128x1xf32> to vector<128x1xi32>
    %add3A_43 = vector.broadcast %mul3A_32 : i32 to vector<128x1xi32>
    %add3A_44 = arith.addi %convert_element_type3A_42, %add3A_43 : vector<128x1xi32>
    %swap3A_45 = arith.constant 0 : index
    %swap3A_46 = arith.constant 0 : index
    %swap3A_47 = arith.constant 0 : index
    %swap3A_48 = vector.load %arg4[%swap3A_45, %swap3A_46, %swap3A_47] : memref<1x128x16xi32, #tpu.memory_space<vmem>>, vector<1x128x1xi32>
    %swap3A_49 = vector.shape_cast %swap3A_48 : vector<1x128x1xi32> to vector<128x1xi32>
    %swap3A_50 = vector.shape_cast %add3A_44 : vector<128x1xi32> to vector<1x128x1xi32>
    tpu.vector_store %arg4[%swap3A_45, %swap3A_46, %swap3A_47], %swap3A_50 {strides = array<i32>} : memref<1x128x16xi32, #tpu.memory_space<vmem>>, vector<1x128x1xi32>,
    %eq3A_51 = vector.broadcast %broadcast_in_dim3A_41 : vector<128x1xf32> to vector<128x4096xf32>
    %eq3A_52 = arith.cmpf oeq, %convert_element_type3A, %eq3A_51 : vector<128x4096xf32>
    %jit3A_53 = arith.constant 0x7F800000 : f32
    %broadcast_in_dim3A_54 = vector.broadcast %jit3A_53 : f32 to vector<128x4096xf32>
    %select_n3A_55 = arith.select %eq3A_52, %broadcast_in_dim3A_54, %get3A_35 : vector<128x4096xi1>, vector<128x4096xf32>
    %reduce_min3A_56 = arith.constant dense<0x7F800000> : vector<128xf32>
    %reduce_min3A_57 = vector.multi_reduction <minimumf>, %select_n3A_55, %reduce_min3A_56 [1] : vector<128x4096xf32> to vector<128xf32>
    %broadcast_in_dim3A_58 = vector.shape_cast %reduce_min3A_57 : vector<128xf32> to vector<128x1xf32>
    %eq3A_59 = vector.broadcast %broadcast_in_dim3A_58 : vector<128x1xf32> to vector<128x4096xf32>
    %eq3A_60 = arith.cmpf oeq, %select_n3A_55, %eq3A_59 : vector<128x4096xf32>
    %jit3A_61 = arith.constant 4.096000e+03 : f32
    %broadcast_in_dim3A_62 = vector.broadcast %jit3A_61 : f32 to vector<128x4096xf32>
    %select_n3A_63 = arith.select %eq3A_60, %convert_element_type3A, %broadcast_in_dim3A_62 : vector<128x4096xi1>, vector<128x4096xf32>
    %reduce_min3A_64 = arith.constant dense<0x7F800000> : vector<128xf32>
    %reduce_min3A_65 = vector.multi_reduction <minimumf>, %select_n3A_63, %reduce_min3A_64 [1] : vector<128x4096xf32> to vector<128xf32>
    %broadcast_in_dim3A_66 = vector.shape_cast %reduce_min3A_65 : vector<128xf32> to vector<128x1xf32>
    %convert_element_type3A_67 = arith.fptosi %broadcast_in_dim3A_66 : vector<128x1xf32> to vector<128x1xi32>
    %add3A_68 = vector.broadcast %mul3A_32 : i32 to vector<128x1xi32>
    %add3A_69 = arith.addi %convert_element_type3A_67, %add3A_68 : vector<128x1xi32>
    %swap3A_70 = arith.constant 0 : index
    %swap3A_71 = arith.constant 0 : index
    %swap3A_72 = arith.constant 1 : index
    %swap3A_73 = vector.load %arg4[%swap3A_70, %swap3A_71, %swap3A_72] : memref<1x128x16xi32, #tpu.memory_space<vmem>>, vector<1x128x1xi32>
    %swap3A_74 = vector.shape_cast %swap3A_73 : vector<1x128x1xi32> to vector<128x1xi32>
    %swap3A_75 = vector.shape_cast %add3A_69 : vector<128x1xi32> to vector<1x128x1xi32>
    tpu.vector_store %arg4[%swap3A_70, %swap3A_71, %swap3A_72], %swap3A_75 {strides = array<i32>} : memref<1x128x16xi32, #tpu.memory_space<vmem>>, vector<1x128x1xi32>,
    %eq3A_76 = vector.broadcast %broadcast_in_dim3A_66 : vector<128x1xf32> to vector<128x4096xf32>
    %eq3A_77 = arith.cmpf oeq, %convert_element_type3A, %eq3A_76 : vector<128x4096xf32>
    %jit3A_78 = arith.constant 0x7F800000 : f32
    %broadcast_in_dim3A_79 = vector.broadcast %jit3A_78 : f32 to vector<128x4096xf32>
    %select_n3A_80 = arith.select %eq3A_77, %broadcast_in_dim3A_79, %select_n3A_55 : vector<128x4096xi1>, vector<128x4096xf32>
    %reduce_min3A_81 = arith.constant dense<0x7F800000> : vector<128xf32>
    %reduce_min3A_82 = vector.multi_reduction <minimumf>, %select_n3A_80, %reduce_min3A_81 [1] : vector<128x4096xf32> to vector<128xf32>
    %broadcast_in_dim3A_83 = vector.shape_cast %reduce_min3A_82 : vector<128xf32> to vector<128x1xf32>
    %eq3A_84 = vector.broadcast %broadcast_in_dim3A_83 : vector<128x1xf32> to vector<128x4096xf32>
    %eq3A_85 = arith.cmpf oeq, %select_n3A_80, %eq3A_84 : vector<128x4096xf32>
    %jit3A_86 = arith.constant 4.096000e+03 : f32
    %broadcast_in_dim3A_87 = vector.broadcast %jit3A_86 : f32 to vector<128x4096xf32>
    %select_n3A_88 = arith.select %eq3A_85, %convert_element_type3A, %broadcast_in_dim3A_87 : vector<128x4096xi1>, vector<128x4096xf32>
    %reduce_min3A_89 = arith.constant dense<0x7F800000> : vector<128xf32>
    %reduce_min3A_90 = vector.multi_reduction <minimumf>, %select_n3A_88, %reduce_min3A_89 [1] : vector<128x4096xf32> to vector<128xf32>
    %broadcast_in_dim3A_91 = vector.shape_cast %reduce_min3A_90 : vector<128xf32> to vector<128x1xf32>
    %convert_element_type3A_92 = arith.fptosi %broadcast_in_dim3A_91 : vector<128x1xf32> to vector<128x1xi32>
    %add3A_93 = vector.broadcast %mul3A_32 : i32 to vector<128x1xi32>
    %add3A_94 = arith.addi %convert_element_type3A_92, %add3A_93 : vector<128x1xi32>
    %swap3A_95 = arith.constant 0 : index
    %swap3A_96 = arith.constant 0 : index
    %swap3A_97 = arith.constant 2 : index
    %swap3A_98 = vector.load %arg4[%swap3A_95, %swap3A_96, %swap3A_97] : memref<1x128x16xi32, #tpu.memory_space<vmem>>, vector<1x128x1xi32>
    %swap3A_99 = vector.shape_cast %swap3A_98 : vector<1x128x1xi32> to vector<128x1xi32>
    %swap3A_100 = vector.shape_cast %add3A_94 : vector<128x1xi32> to vector<1x128x1xi32>
    tpu.vector_store %arg4[%swap3A_95, %swap3A_96, %swap3A_97], %swap3A_100 {strides = array<i32>} : memref<1x128x16xi32, #tpu.memory_space<vmem>>, vector<1x128x1xi32>,
    %eq3A_101 = vector.broadcast %broadcast_in_dim3A_91 : vector<128x1xf32> to vector<128x4096xf32>
    %eq3A_102 = arith.cmpf oeq, %convert_element_type3A, %eq3A_101 : vector<128x4096xf32>
    %jit3A_103 = arith.constant 0x7F800000 : f32
    %broadcast_in_dim3A_104 = vector.broadcast %jit3A_103 : f32 to vector<128x4096xf32>
    %select_n3A_105 = arith.select %eq3A_102, %broadcast_in_dim3A_104, %select_n3A_80 : vector<128x4096xi1>, vector<128x4096xf32>
    %reduce_min3A_106 = arith.constant dense<0x7F800000> : vector<128xf32>
    %reduce_min3A_107 = vector.multi_reduction <minimumf>, %select_n3A_105, %reduce_min3A_106 [1] : vector<128x4096xf32> to vector<128xf32>
    %broadcast_in_dim3A_108 = vector.shape_cast %reduce_min3A_107 : vector<128xf32> to vector<128x1xf32>
    %eq3A_109 = vector.broadcast %broadcast_in_dim3A_108 : vector<128x1xf32> to vector<128x4096xf32>
    %eq3A_110 = arith.cmpf oeq, %select_n3A_105, %eq3A_109 : vector<128x4096xf32>
    %jit3A_111 = arith.constant 4.096000e+03 : f32
    %broadcast_in_dim3A_112 = vector.broadcast %jit3A_111 : f32 to vector<128x4096xf32>
    %select_n3A_113 = arith.select %eq3A_110, %convert_element_type3A, %broadcast_in_dim3A_112 : vector<128x4096xi1>, vector<128x4096xf32>
    %reduce_min3A_114 = arith.constant dense<0x7F800000> : vector<128xf32>
    %reduce_min3A_115 = vector.multi_reduction <minimumf>, %select_n3A_113, %reduce_min3A_114 [1] : vector<128x4096xf32> to vector<128xf32>
    %broadcast_in_dim3A_116 = vector.shape_cast %reduce_min3A_115 : vector<128xf32> to vector<128x1xf32>
    %convert_element_type3A_117 = arith.fptosi %broadcast_in_dim3A_116 : vector<128x1xf32> to vector<128x1xi32>
    %add3A_118 = vector.broadcast %mul3A_32 : i32 to vector<128x1xi32>
    %add3A_119 = arith.addi %convert_element_type3A_117, %add3A_118 : vector<128x1xi32>
    %swap3A_120 = arith.constant 0 : index
    %swap3A_121 = arith.constant 0 : index
    %swap3A_122 = arith.constant 3 : index
    %swap3A_123 = vector.load %arg4[%swap3A_120, %swap3A_121, %swap3A_122] : memref<1x128x16xi32, #tpu.memory_space<vmem>>, vector<1x128x1xi32>
    %swap3A_124 = vector.shape_cast %swap3A_123 : vector<1x128x1xi32> to vector<128x1xi32>
    %swap3A_125 = vector.shape_cast %add3A_119 : vector<128x1xi32> to vector<1x128x1xi32>
    tpu.vector_store %arg4[%swap3A_120, %swap3A_121, %swap3A_122], %swap3A_125 {strides = array<i32>} : memref<1x128x16xi32, #tpu.memory_space<vmem>>, vector<1x128x1xi32>,
    %eq3A_126 = vector.broadcast %broadcast_in_dim3A_116 : vector<128x1xf32> to vector<128x4096xf32>
    %eq3A_127 = arith.cmpf oeq, %convert_element_type3A, %eq3A_126 : vector<128x4096xf32>
    %jit3A_128 = arith.constant 0x7F800000 : f32
    %broadcast_in_dim3A_129 = vector.broadcast %jit3A_128 : f32 to vector<128x4096xf32>
    %select_n3A_130 = arith.select %eq3A_127, %broadcast_in_dim3A_129, %select_n3A_105 : vector<128x4096xi1>, vector<128x4096xf32>
    %reduce_min3A_131 = arith.constant dense<0x7F800000> : vector<128xf32>
    %reduce_min3A_132 = vector.multi_reduction <minimumf>, %select_n3A_130, %reduce_min3A_131 [1] : vector<128x4096xf32> to vector<128xf32>
    %broadcast_in_dim3A_133 = vector.shape_cast %reduce_min3A_132 : vector<128xf32> to vector<128x1xf32>
    %eq3A_134 = vector.broadcast %broadcast_in_dim3A_133 : vector<128x1xf32> to vector<128x4096xf32>
    %eq3A_135 = arith.cmpf oeq, %select_n3A_130, %eq3A_134 : vector<128x4096xf32>
    %jit3A_136 = arith.constant 4.096000e+03 : f32
    %broadcast_in_dim3A_137 = vector.broadcast %jit3A_136 : f32 to vector<128x4096xf32>
    %select_n3A_138 = arith.select %eq3A_135, %convert_element_type3A, %broadcast_in_dim3A_137 : vector<128x4096xi1>, vector<128x4096xf32>
    %reduce_min3A_139 = arith.constant dense<0x7F800000> : vector<128xf32>
    %reduce_min3A_140 = vector.multi_reduction <minimumf>, %select_n3A_138, %reduce_min3A_139 [1] : vector<128x4096xf32> to vector<128xf32>
    %broadcast_in_dim3A_141 = vector.shape_cast %reduce_min3A_140 : vector<128xf32> to vector<128x1xf32>
    %convert_element_type3A_142 = arith.fptosi %broadcast_in_dim3A_141 : vector<128x1xf32> to vector<128x1xi32>
    %add3A_143 = vector.broadcast %mul3A_32 : i32 to vector<128x1xi32>
    %add3A_144 = arith.addi %convert_element_type3A_142, %add3A_143 : vector<128x1xi32>
    %swap3A_145 = arith.constant 0 : index
    %swap3A_146 = arith.constant 0 : index
    %swap3A_147 = arith.constant 4 : index
    %swap3A_148 = vector.load %arg4[%swap3A_145, %swap3A_146, %swap3A_147] : memref<1x128x16xi32, #tpu.memory_space<vmem>>, vector<1x128x1xi32>
    %swap3A_149 = vector.shape_cast %swap3A_148 : vector<1x128x1xi32> to vector<128x1xi32>
    %swap3A_150 = vector.shape_cast %add3A_144 : vector<128x1xi32> to vector<1x128x1xi32>
    tpu.vector_store %arg4[%swap3A_145, %swap3A_146, %swap3A_147], %swap3A_150 {strides = array<i32>} : memref<1x128x16xi32, #tpu.memory_space<vmem>>, vector<1x128x1xi32>,
    %eq3A_151 = vector.broadcast %broadcast_in_dim3A_141 : vector<128x1xf32> to vector<128x4096xf32>
    %eq3A_152 = arith.cmpf oeq, %convert_element_type3A, %eq3A_151 : vector<128x4096xf32>
    %jit3A_153 = arith.constant 0x7F800000 : f32
    %broadcast_in_dim3A_154 = vector.broadcast %jit3A_153 : f32 to vector<128x4096xf32>
    %select_n3A_155 = arith.select %eq3A_152, %broadcast_in_dim3A_154, %select_n3A_130 : vector<128x4096xi1>, vector<128x4096xf32>
    %reduce_min3A_156 = arith.constant dense<0x7F800000> : vector<128xf32>
    %reduce_min3A_157 = vector.multi_reduction <minimumf>, %select_n3A_155, %reduce_min3A_156 [1] : vector<128x4096xf32> to vector<128xf32>
    %broadcast_in_dim3A_158 = vector.shape_cast %reduce_min3A_157 : vector<128xf32> to vector<128x1xf32>
    %eq3A_159 = vector.broadcast %broadcast_in_dim3A_158 : vector<128x1xf32> to vector<128x4096xf32>
    %eq3A_160 = arith.cmpf oeq, %select_n3A_155, %eq3A_159 : vector<128x4096xf32>
    %jit3A_161 = arith.constant 4.096000e+03 : f32
    %broadcast_in_dim3A_162 = vector.broadcast %jit3A_161 : f32 to vector<128x4096xf32>
    %select_n3A_163 = arith.select %eq3A_160, %convert_element_type3A, %broadcast_in_dim3A_162 : vector<128x4096xi1>, vector<128x4096xf32>
    %reduce_min3A_164 = arith.constant dense<0x7F800000> : vector<128xf32>
    %reduce_min3A_165 = vector.multi_reduction <minimumf>, %select_n3A_163, %reduce_min3A_164 [1] : vector<128x4096xf32> to vector<128xf32>
    %broadcast_in_dim3A_166 = vector.shape_cast %reduce_min3A_165 : vector<128xf32> to vector<128x1xf32>
    %convert_element_type3A_167 = arith.fptosi %broadcast_in_dim3A_166 : vector<128x1xf32> to vector<128x1xi32>
    %add3A_168 = vector.broadcast %mul3A_32 : i32 to vector<128x1xi32>
    %add3A_169 = arith.addi %convert_element_type3A_167, %add3A_168 : vector<128x1xi32>
    %swap3A_170 = arith.constant 0 : index
    %swap3A_171 = arith.constant 0 : index
    %swap3A_172 = arith.constant 5 : index
    %swap3A_173 = vector.load %arg4[%swap3A_170, %swap3A_171, %swap3A_172] : memref<1x128x16xi32, #tpu.memory_space<vmem>>, vector<1x128x1xi32>
    %swap3A_174 = vector.shape_cast %swap3A_173 : vector<1x128x1xi32> to vector<128x1xi32>
    %swap3A_175 = vector.shape_cast %add3A_169 : vector<128x1xi32> to vector<1x128x1xi32>
    tpu.vector_store %arg4[%swap3A_170, %swap3A_171, %swap3A_172], %swap3A_175 {strides = array<i32>} : memref<1x128x16xi32, #tpu.memory_space<vmem>>, vector<1x128x1xi32>,
    %eq3A_176 = vector.broadcast %broadcast_in_dim3A_166 : vector<128x1xf32> to vector<128x4096xf32>
    %eq3A_177 = arith.cmpf oeq, %convert_element_type3A, %eq3A_176 : vector<128x4096xf32>
    %jit3A_178 = arith.constant 0x7F800000 : f32
    %broadcast_in_dim3A_179 = vector.broadcast %jit3A_178 : f32 to vector<128x4096xf32>
    %select_n3A_180 = arith.select %eq3A_177, %broadcast_in_dim3A_179, %select_n3A_155 : vector<128x4096xi1>, vector<128x4096xf32>
    %reduce_min3A_181 = arith.constant dense<0x7F800000> : vector<128xf32>
    %reduce_min3A_182 = vector.multi_reduction <minimumf>, %select_n3A_180, %reduce_min3A_181 [1] : vector<128x4096xf32> to vector<128xf32>
    %broadcast_in_dim3A_183 = vector.shape_cast %reduce_min3A_182 : vector<128xf32> to vector<128x1xf32>
    %eq3A_184 = vector.broadcast %broadcast_in_dim3A_183 : vector<128x1xf32> to vector<128x4096xf32>
    %eq3A_185 = arith.cmpf oeq, %select_n3A_180, %eq3A_184 : vector<128x4096xf32>
    %jit3A_186 = arith.constant 4.096000e+03 : f32
    %broadcast_in_dim3A_187 = vector.broadcast %jit3A_186 : f32 to vector<128x4096xf32>
    %select_n3A_188 = arith.select %eq3A_185, %convert_element_type3A, %broadcast_in_dim3A_187 : vector<128x4096xi1>, vector<128x4096xf32>
    %reduce_min3A_189 = arith.constant dense<0x7F800000> : vector<128xf32>
    %reduce_min3A_190 = vector.multi_reduction <minimumf>, %select_n3A_188, %reduce_min3A_189 [1] : vector<128x4096xf32> to vector<128xf32>
    %broadcast_in_dim3A_191 = vector.shape_cast %reduce_min3A_190 : vector<128xf32> to vector<128x1xf32>
    %convert_element_type3A_192 = arith.fptosi %broadcast_in_dim3A_191 : vector<128x1xf32> to vector<128x1xi32>
    %add3A_193 = vector.broadcast %mul3A_32 : i32 to vector<128x1xi32>
    %add3A_194 = arith.addi %convert_element_type3A_192, %add3A_193 : vector<128x1xi32>
    %swap3A_195 = arith.constant 0 : index
    %swap3A_196 = arith.constant 0 : index
    %swap3A_197 = arith.constant 6 : index
    %swap3A_198 = vector.load %arg4[%swap3A_195, %swap3A_196, %swap3A_197] : memref<1x128x16xi32, #tpu.memory_space<vmem>>, vector<1x128x1xi32>
    %swap3A_199 = vector.shape_cast %swap3A_198 : vector<1x128x1xi32> to vector<128x1xi32>
    %swap3A_200 = vector.shape_cast %add3A_194 : vector<128x1xi32> to vector<1x128x1xi32>
    tpu.vector_store %arg4[%swap3A_195, %swap3A_196, %swap3A_197], %swap3A_200 {strides = array<i32>} : memref<1x128x16xi32, #tpu.memory_space<vmem>>, vector<1x128x1xi32>,
    %eq3A_201 = vector.broadcast %broadcast_in_dim3A_191 : vector<128x1xf32> to vector<128x4096xf32>
    %eq3A_202 = arith.cmpf oeq, %convert_element_type3A, %eq3A_201 : vector<128x4096xf32>
    %jit3A_203 = arith.constant 0x7F800000 : f32
    %broadcast_in_dim3A_204 = vector.broadcast %jit3A_203 : f32 to vector<128x4096xf32>
    %select_n3A_205 = arith.select %eq3A_202, %broadcast_in_dim3A_204, %select_n3A_180 : vector<128x4096xi1>, vector<128x4096xf32>
    %reduce_min3A_206 = arith.constant dense<0x7F800000> : vector<128xf32>
    %reduce_min3A_207 = vector.multi_reduction <minimumf>, %select_n3A_205, %reduce_min3A_206 [1] : vector<128x4096xf32> to vector<128xf32>
    %broadcast_in_dim3A_208 = vector.shape_cast %reduce_min3A_207 : vector<128xf32> to vector<128x1xf32>
    %eq3A_209 = vector.broadcast %broadcast_in_dim3A_208 : vector<128x1xf32> to vector<128x4096xf32>
    %eq3A_210 = arith.cmpf oeq, %select_n3A_205, %eq3A_209 : vector<128x4096xf32>
    %jit3A_211 = arith.constant 4.096000e+03 : f32
    %broadcast_in_dim3A_212 = vector.broadcast %jit3A_211 : f32 to vector<128x4096xf32>
    %select_n3A_213 = arith.select %eq3A_210, %convert_element_type3A, %broadcast_in_dim3A_212 : vector<128x4096xi1>, vector<128x4096xf32>
    %reduce_min3A_214 = arith.constant dense<0x7F800000> : vector<128xf32>
    %reduce_min3A_215 = vector.multi_reduction <minimumf>, %select_n3A_213, %reduce_min3A_214 [1] : vector<128x4096xf32> to vector<128xf32>
    %broadcast_in_dim3A_216 = vector.shape_cast %reduce_min3A_215 : vector<128xf32> to vector<128x1xf32>
    %convert_element_type3A_217 = arith.fptosi %broadcast_in_dim3A_216 : vector<128x1xf32> to vector<128x1xi32>
    %add3A_218 = vector.broadcast %mul3A_32 : i32 to vector<128x1xi32>
    %add3A_219 = arith.addi %convert_element_type3A_217, %add3A_218 : vector<128x1xi32>
    %swap3A_220 = arith.constant 0 : index
    %swap3A_221 = arith.constant 0 : index
    %swap3A_222 = arith.constant 7 : index
    %swap3A_223 = vector.load %arg4[%swap3A_220, %swap3A_221, %swap3A_222] : memref<1x128x16xi32, #tpu.memory_space<vmem>>, vector<1x128x1xi32>
    %swap3A_224 = vector.shape_cast %swap3A_223 : vector<1x128x1xi32> to vector<128x1xi32>
    %swap3A_225 = vector.shape_cast %add3A_219 : vector<128x1xi32> to vector<1x128x1xi32>
    tpu.vector_store %arg4[%swap3A_220, %swap3A_221, %swap3A_222], %swap3A_225 {strides = array<i32>} : memref<1x128x16xi32, #tpu.memory_space<vmem>>, vector<1x128x1xi32>,
    %eq3A_226 = vector.broadcast %broadcast_in_dim3A_216 : vector<128x1xf32> to vector<128x4096xf32>
    %eq3A_227 = arith.cmpf oeq, %convert_element_type3A, %eq3A_226 : vector<128x4096xf32>
    %jit3A_228 = arith.constant 0x7F800000 : f32
    %broadcast_in_dim3A_229 = vector.broadcast %jit3A_228 : f32 to vector<128x4096xf32>
    %select_n3A_230 = arith.select %eq3A_227, %broadcast_in_dim3A_229, %select_n3A_205 : vector<128x4096xi1>, vector<128x4096xf32>
    %reduce_min3A_231 = arith.constant dense<0x7F800000> : vector<128xf32>
    %reduce_min3A_232 = vector.multi_reduction <minimumf>, %select_n3A_230, %reduce_min3A_231 [1] : vector<128x4096xf32> to vector<128xf32>
    %broadcast_in_dim3A_233 = vector.shape_cast %reduce_min3A_232 : vector<128xf32> to vector<128x1xf32>
    %eq3A_234 = vector.broadcast %broadcast_in_dim3A_233 : vector<128x1xf32> to vector<128x4096xf32>
    %eq3A_235 = arith.cmpf oeq, %select_n3A_230, %eq3A_234 : vector<128x4096xf32>
    %jit3A_236 = arith.constant 4.096000e+03 : f32
    %broadcast_in_dim3A_237 = vector.broadcast %jit3A_236 : f32 to vector<128x4096xf32>
    %select_n3A_238 = arith.select %eq3A_235, %convert_element_type3A, %broadcast_in_dim3A_237 : vector<128x4096xi1>, vector<128x4096xf32>
    %reduce_min3A_239 = arith.constant dense<0x7F800000> : vector<128xf32>
    %reduce_min3A_240 = vector.multi_reduction <minimumf>, %select_n3A_238, %reduce_min3A_239 [1] : vector<128x4096xf32> to vector<128xf32>
    %broadcast_in_dim3A_241 = vector.shape_cast %reduce_min3A_240 : vector<128xf32> to vector<128x1xf32>
    %convert_element_type3A_242 = arith.fptosi %broadcast_in_dim3A_241 : vector<128x1xf32> to vector<128x1xi32>
    %add3A_243 = vector.broadcast %mul3A_32 : i32 to vector<128x1xi32>
    %add3A_244 = arith.addi %convert_element_type3A_242, %add3A_243 : vector<128x1xi32>
    %swap3A_245 = arith.constant 0 : index
    %swap3A_246 = arith.constant 0 : index
    %swap3A_247 = arith.constant 8 : index
    %swap3A_248 = vector.load %arg4[%swap3A_245, %swap3A_246, %swap3A_247] : memref<1x128x16xi32, #tpu.memory_space<vmem>>, vector<1x128x1xi32>
    %swap3A_249 = vector.shape_cast %swap3A_248 : vector<1x128x1xi32> to vector<128x1xi32>
    %swap3A_250 = vector.shape_cast %add3A_244 : vector<128x1xi32> to vector<1x128x1xi32>
    tpu.vector_store %arg4[%swap3A_245, %swap3A_246, %swap3A_247], %swap3A_250 {strides = array<i32>} : memref<1x128x16xi32, #tpu.memory_space<vmem>>, vector<1x128x1xi32>,
    %eq3A_251 = vector.broadcast %broadcast_in_dim3A_241 : vector<128x1xf32> to vector<128x4096xf32>
    %eq3A_252 = arith.cmpf oeq, %convert_element_type3A, %eq3A_251 : vector<128x4096xf32>
    %jit3A_253 = arith.constant 0x7F800000 : f32
    %broadcast_in_dim3A_254 = vector.broadcast %jit3A_253 : f32 to vector<128x4096xf32>
    %select_n3A_255 = arith.select %eq3A_252, %broadcast_in_dim3A_254, %select_n3A_230 : vector<128x4096xi1>, vector<128x4096xf32>
    %reduce_min3A_256 = arith.constant dense<0x7F800000> : vector<128xf32>
    %reduce_min3A_257 = vector.multi_reduction <minimumf>, %select_n3A_255, %reduce_min3A_256 [1] : vector<128x4096xf32> to vector<128xf32>
    %broadcast_in_dim3A_258 = vector.shape_cast %reduce_min3A_257 : vector<128xf32> to vector<128x1xf32>
    %eq3A_259 = vector.broadcast %broadcast_in_dim3A_258 : vector<128x1xf32> to vector<128x4096xf32>
    %eq3A_260 = arith.cmpf oeq, %select_n3A_255, %eq3A_259 : vector<128x4096xf32>
    %jit3A_261 = arith.constant 4.096000e+03 : f32
    %broadcast_in_dim3A_262 = vector.broadcast %jit3A_261 : f32 to vector<128x4096xf32>
    %select_n3A_263 = arith.select %eq3A_260, %convert_element_type3A, %broadcast_in_dim3A_262 : vector<128x4096xi1>, vector<128x4096xf32>
    %reduce_min3A_264 = arith.constant dense<0x7F800000> : vector<128xf32>
    %reduce_min3A_265 = vector.multi_reduction <minimumf>, %select_n3A_263, %reduce_min3A_264 [1] : vector<128x4096xf32> to vector<128xf32>
    %broadcast_in_dim3A_266 = vector.shape_cast %reduce_min3A_265 : vector<128xf32> to vector<128x1xf32>
    %convert_element_type3A_267 = arith.fptosi %broadcast_in_dim3A_266 : vector<128x1xf32> to vector<128x1xi32>
    %add3A_268 = vector.broadcast %mul3A_32 : i32 to vector<128x1xi32>
    %add3A_269 = arith.addi %convert_element_type3A_267, %add3A_268 : vector<128x1xi32>
    %swap3A_270 = arith.constant 0 : index
    %swap3A_271 = arith.constant 0 : index
    %swap3A_272 = arith.constant 9 : index
    %swap3A_273 = vector.load %arg4[%swap3A_270, %swap3A_271, %swap3A_272] : memref<1x128x16xi32, #tpu.memory_space<vmem>>, vector<1x128x1xi32>
    %swap3A_274 = vector.shape_cast %swap3A_273 : vector<1x128x1xi32> to vector<128x1xi32>
    %swap3A_275 = vector.shape_cast %add3A_269 : vector<128x1xi32> to vector<1x128x1xi32>
    tpu.vector_store %arg4[%swap3A_270, %swap3A_271, %swap3A_272], %swap3A_275 {strides = array<i32>} : memref<1x128x16xi32, #tpu.memory_space<vmem>>, vector<1x128x1xi32>,
    %eq3A_276 = vector.broadcast %broadcast_in_dim3A_266 : vector<128x1xf32> to vector<128x4096xf32>
    %eq3A_277 = arith.cmpf oeq, %convert_element_type3A, %eq3A_276 : vector<128x4096xf32>
    %jit3A_278 = arith.constant 0x7F800000 : f32
    %broadcast_in_dim3A_279 = vector.broadcast %jit3A_278 : f32 to vector<128x4096xf32>
    %select_n3A_280 = arith.select %eq3A_277, %broadcast_in_dim3A_279, %select_n3A_255 : vector<128x4096xi1>, vector<128x4096xf32>
    %reduce_min3A_281 = arith.constant dense<0x7F800000> : vector<128xf32>
    %reduce_min3A_282 = vector.multi_reduction <minimumf>, %select_n3A_280, %reduce_min3A_281 [1] : vector<128x4096xf32> to vector<128xf32>
    %broadcast_in_dim3A_283 = vector.shape_cast %reduce_min3A_282 : vector<128xf32> to vector<128x1xf32>
    %eq3A_284 = vector.broadcast %broadcast_in_dim3A_283 : vector<128x1xf32> to vector<128x4096xf32>
    %eq3A_285 = arith.cmpf oeq, %select_n3A_280, %eq3A_284 : vector<128x4096xf32>
    %jit3A_286 = arith.constant 4.096000e+03 : f32
    %broadcast_in_dim3A_287 = vector.broadcast %jit3A_286 : f32 to vector<128x4096xf32>
    %select_n3A_288 = arith.select %eq3A_285, %convert_element_type3A, %broadcast_in_dim3A_287 : vector<128x4096xi1>, vector<128x4096xf32>
    %reduce_min3A_289 = arith.constant dense<0x7F800000> : vector<128xf32>
    %reduce_min3A_290 = vector.multi_reduction <minimumf>, %select_n3A_288, %reduce_min3A_289 [1] : vector<128x4096xf32> to vector<128xf32>
    %broadcast_in_dim3A_291 = vector.shape_cast %reduce_min3A_290 : vector<128xf32> to vector<128x1xf32>
    %convert_element_type3A_292 = arith.fptosi %broadcast_in_dim3A_291 : vector<128x1xf32> to vector<128x1xi32>
    %add3A_293 = vector.broadcast %mul3A_32 : i32 to vector<128x1xi32>
    %add3A_294 = arith.addi %convert_element_type3A_292, %add3A_293 : vector<128x1xi32>
    %swap3A_295 = arith.constant 0 : index
    %swap3A_296 = arith.constant 0 : index
    %swap3A_297 = arith.constant 10 : index
    %swap3A_298 = vector.load %arg4[%swap3A_295, %swap3A_296, %swap3A_297] : memref<1x128x16xi32, #tpu.memory_space<vmem>>, vector<1x128x1xi32>
    %swap3A_299 = vector.shape_cast %swap3A_298 : vector<1x128x1xi32> to vector<128x1xi32>
    %swap3A_300 = vector.shape_cast %add3A_294 : vector<128x1xi32> to vector<1x128x1xi32>
    tpu.vector_store %arg4[%swap3A_295, %swap3A_296, %swap3A_297], %swap3A_300 {strides = array<i32>} : memref<1x128x16xi32, #tpu.memory_space<vmem>>, vector<1x128x1xi32>,
    %eq3A_301 = vector.broadcast %broadcast_in_dim3A_291 : vector<128x1xf32> to vector<128x4096xf32>
    %eq3A_302 = arith.cmpf oeq, %convert_element_type3A, %eq3A_301 : vector<128x4096xf32>
    %jit3A_303 = arith.constant 0x7F800000 : f32
    %broadcast_in_dim3A_304 = vector.broadcast %jit3A_303 : f32 to vector<128x4096xf32>
    %select_n3A_305 = arith.select %eq3A_302, %broadcast_in_dim3A_304, %select_n3A_280 : vector<128x4096xi1>, vector<128x4096xf32>
    %reduce_min3A_306 = arith.constant dense<0x7F800000> : vector<128xf32>
    %reduce_min3A_307 = vector.multi_reduction <minimumf>, %select_n3A_305, %reduce_min3A_306 [1] : vector<128x4096xf32> to vector<128xf32>
    %broadcast_in_dim3A_308 = vector.shape_cast %reduce_min3A_307 : vector<128xf32> to vector<128x1xf32>
    %eq3A_309 = vector.broadcast %broadcast_in_dim3A_308 : vector<128x1xf32> to vector<128x4096xf32>
    %eq3A_310 = arith.cmpf oeq, %select_n3A_305, %eq3A_309 : vector<128x4096xf32>
    %jit3A_311 = arith.constant 4.096000e+03 : f32
    %broadcast_in_dim3A_312 = vector.broadcast %jit3A_311 : f32 to vector<128x4096xf32>
    %select_n3A_313 = arith.select %eq3A_310, %convert_element_type3A, %broadcast_in_dim3A_312 : vector<128x4096xi1>, vector<128x4096xf32>
    %reduce_min3A_314 = arith.constant dense<0x7F800000> : vector<128xf32>
    %reduce_min3A_315 = vector.multi_reduction <minimumf>, %select_n3A_313, %reduce_min3A_314 [1] : vector<128x4096xf32> to vector<128xf32>
    %broadcast_in_dim3A_316 = vector.shape_cast %reduce_min3A_315 : vector<128xf32> to vector<128x1xf32>
    %convert_element_type3A_317 = arith.fptosi %broadcast_in_dim3A_316 : vector<128x1xf32> to vector<128x1xi32>
    %add3A_318 = vector.broadcast %mul3A_32 : i32 to vector<128x1xi32>
    %add3A_319 = arith.addi %convert_element_type3A_317, %add3A_318 : vector<128x1xi32>
    %swap3A_320 = arith.constant 0 : index
    %swap3A_321 = arith.constant 0 : index
    %swap3A_322 = arith.constant 11 : index
    %swap3A_323 = vector.load %arg4[%swap3A_320, %swap3A_321, %swap3A_322] : memref<1x128x16xi32, #tpu.memory_space<vmem>>, vector<1x128x1xi32>
    %swap3A_324 = vector.shape_cast %swap3A_323 : vector<1x128x1xi32> to vector<128x1xi32>
    %swap3A_325 = vector.shape_cast %add3A_319 : vector<128x1xi32> to vector<1x128x1xi32>
    tpu.vector_store %arg4[%swap3A_320, %swap3A_321, %swap3A_322], %swap3A_325 {strides = array<i32>} : memref<1x128x16xi32, #tpu.memory_space<vmem>>, vector<1x128x1xi32>,
    %eq3A_326 = vector.broadcast %broadcast_in_dim3A_316 : vector<128x1xf32> to vector<128x4096xf32>
    %eq3A_327 = arith.cmpf oeq, %convert_element_type3A, %eq3A_326 : vector<128x4096xf32>
    %jit3A_328 = arith.constant 0x7F800000 : f32
    %broadcast_in_dim3A_329 = vector.broadcast %jit3A_328 : f32 to vector<128x4096xf32>
    %select_n3A_330 = arith.select %eq3A_327, %broadcast_in_dim3A_329, %select_n3A_305 : vector<128x4096xi1>, vector<128x4096xf32>
    %reduce_min3A_331 = arith.constant dense<0x7F800000> : vector<128xf32>
    %reduce_min3A_332 = vector.multi_reduction <minimumf>, %select_n3A_330, %reduce_min3A_331 [1] : vector<128x4096xf32> to vector<128xf32>
    %broadcast_in_dim3A_333 = vector.shape_cast %reduce_min3A_332 : vector<128xf32> to vector<128x1xf32>
    %eq3A_334 = vector.broadcast %broadcast_in_dim3A_333 : vector<128x1xf32> to vector<128x4096xf32>
    %eq3A_335 = arith.cmpf oeq, %select_n3A_330, %eq3A_334 : vector<128x4096xf32>
    %jit3A_336 = arith.constant 4.096000e+03 : f32
    %broadcast_in_dim3A_337 = vector.broadcast %jit3A_336 : f32 to vector<128x4096xf32>
    %select_n3A_338 = arith.select %eq3A_335, %convert_element_type3A, %broadcast_in_dim3A_337 : vector<128x4096xi1>, vector<128x4096xf32>
    %reduce_min3A_339 = arith.constant dense<0x7F800000> : vector<128xf32>
    %reduce_min3A_340 = vector.multi_reduction <minimumf>, %select_n3A_338, %reduce_min3A_339 [1] : vector<128x4096xf32> to vector<128xf32>
    %broadcast_in_dim3A_341 = vector.shape_cast %reduce_min3A_340 : vector<128xf32> to vector<128x1xf32>
    %convert_element_type3A_342 = arith.fptosi %broadcast_in_dim3A_341 : vector<128x1xf32> to vector<128x1xi32>
    %add3A_343 = vector.broadcast %mul3A_32 : i32 to vector<128x1xi32>
    %add3A_344 = arith.addi %convert_element_type3A_342, %add3A_343 : vector<128x1xi32>
    %swap3A_345 = arith.constant 0 : index
    %swap3A_346 = arith.constant 0 : index
    %swap3A_347 = arith.constant 12 : index
    %swap3A_348 = vector.load %arg4[%swap3A_345, %swap3A_346, %swap3A_347] : memref<1x128x16xi32, #tpu.memory_space<vmem>>, vector<1x128x1xi32>
    %swap3A_349 = vector.shape_cast %swap3A_348 : vector<1x128x1xi32> to vector<128x1xi32>
    %swap3A_350 = vector.shape_cast %add3A_344 : vector<128x1xi32> to vector<1x128x1xi32>
    tpu.vector_store %arg4[%swap3A_345, %swap3A_346, %swap3A_347], %swap3A_350 {strides = array<i32>} : memref<1x128x16xi32, #tpu.memory_space<vmem>>, vector<1x128x1xi32>,
    %eq3A_351 = vector.broadcast %broadcast_in_dim3A_341 : vector<128x1xf32> to vector<128x4096xf32>
    %eq3A_352 = arith.cmpf oeq, %convert_element_type3A, %eq3A_351 : vector<128x4096xf32>
    %jit3A_353 = arith.constant 0x7F800000 : f32
    %broadcast_in_dim3A_354 = vector.broadcast %jit3A_353 : f32 to vector<128x4096xf32>
    %select_n3A_355 = arith.select %eq3A_352, %broadcast_in_dim3A_354, %select_n3A_330 : vector<128x4096xi1>, vector<128x4096xf32>
    %reduce_min3A_356 = arith.constant dense<0x7F800000> : vector<128xf32>
    %reduce_min3A_357 = vector.multi_reduction <minimumf>, %select_n3A_355, %reduce_min3A_356 [1] : vector<128x4096xf32> to vector<128xf32>
    %broadcast_in_dim3A_358 = vector.shape_cast %reduce_min3A_357 : vector<128xf32> to vector<128x1xf32>
    %eq3A_359 = vector.broadcast %broadcast_in_dim3A_358 : vector<128x1xf32> to vector<128x4096xf32>
    %eq3A_360 = arith.cmpf oeq, %select_n3A_355, %eq3A_359 : vector<128x4096xf32>
    %jit3A_361 = arith.constant 4.096000e+03 : f32
    %broadcast_in_dim3A_362 = vector.broadcast %jit3A_361 : f32 to vector<128x4096xf32>
    %select_n3A_363 = arith.select %eq3A_360, %convert_element_type3A, %broadcast_in_dim3A_362 : vector<128x4096xi1>, vector<128x4096xf32>
    %reduce_min3A_364 = arith.constant dense<0x7F800000> : vector<128xf32>
    %reduce_min3A_365 = vector.multi_reduction <minimumf>, %select_n3A_363, %reduce_min3A_364 [1] : vector<128x4096xf32> to vector<128xf32>
    %broadcast_in_dim3A_366 = vector.shape_cast %reduce_min3A_365 : vector<128xf32> to vector<128x1xf32>
    %convert_element_type3A_367 = arith.fptosi %broadcast_in_dim3A_366 : vector<128x1xf32> to vector<128x1xi32>
    %add3A_368 = vector.broadcast %mul3A_32 : i32 to vector<128x1xi32>
    %add3A_369 = arith.addi %convert_element_type3A_367, %add3A_368 : vector<128x1xi32>
    %swap3A_370 = arith.constant 0 : index
    %swap3A_371 = arith.constant 0 : index
    %swap3A_372 = arith.constant 13 : index
    %swap3A_373 = vector.load %arg4[%swap3A_370, %swap3A_371, %swap3A_372] : memref<1x128x16xi32, #tpu.memory_space<vmem>>, vector<1x128x1xi32>
    %swap3A_374 = vector.shape_cast %swap3A_373 : vector<1x128x1xi32> to vector<128x1xi32>
    %swap3A_375 = vector.shape_cast %add3A_369 : vector<128x1xi32> to vector<1x128x1xi32>
    tpu.vector_store %arg4[%swap3A_370, %swap3A_371, %swap3A_372], %swap3A_375 {strides = array<i32>} : memref<1x128x16xi32, #tpu.memory_space<vmem>>, vector<1x128x1xi32>,
    %eq3A_376 = vector.broadcast %broadcast_in_dim3A_366 : vector<128x1xf32> to vector<128x4096xf32>
    %eq3A_377 = arith.cmpf oeq, %convert_element_type3A, %eq3A_376 : vector<128x4096xf32>
    %jit3A_378 = arith.constant 0x7F800000 : f32
    %broadcast_in_dim3A_379 = vector.broadcast %jit3A_378 : f32 to vector<128x4096xf32>
    %select_n3A_380 = arith.select %eq3A_377, %broadcast_in_dim3A_379, %select_n3A_355 : vector<128x4096xi1>, vector<128x4096xf32>
    %reduce_min3A_381 = arith.constant dense<0x7F800000> : vector<128xf32>
    %reduce_min3A_382 = vector.multi_reduction <minimumf>, %select_n3A_380, %reduce_min3A_381 [1] : vector<128x4096xf32> to vector<128xf32>
    %broadcast_in_dim3A_383 = vector.shape_cast %reduce_min3A_382 : vector<128xf32> to vector<128x1xf32>
    %eq3A_384 = vector.broadcast %broadcast_in_dim3A_383 : vector<128x1xf32> to vector<128x4096xf32>
    %eq3A_385 = arith.cmpf oeq, %select_n3A_380, %eq3A_384 : vector<128x4096xf32>
    %jit3A_386 = arith.constant 4.096000e+03 : f32
    %broadcast_in_dim3A_387 = vector.broadcast %jit3A_386 : f32 to vector<128x4096xf32>
    %select_n3A_388 = arith.select %eq3A_385, %convert_element_type3A, %broadcast_in_dim3A_387 : vector<128x4096xi1>, vector<128x4096xf32>
    %reduce_min3A_389 = arith.constant dense<0x7F800000> : vector<128xf32>
    %reduce_min3A_390 = vector.multi_reduction <minimumf>, %select_n3A_388, %reduce_min3A_389 [1] : vector<128x4096xf32> to vector<128xf32>
    %broadcast_in_dim3A_391 = vector.shape_cast %reduce_min3A_390 : vector<128xf32> to vector<128x1xf32>
    %convert_element_type3A_392 = arith.fptosi %broadcast_in_dim3A_391 : vector<128x1xf32> to vector<128x1xi32>
    %add3A_393 = vector.broadcast %mul3A_32 : i32 to vector<128x1xi32>
    %add3A_394 = arith.addi %convert_element_type3A_392, %add3A_393 : vector<128x1xi32>
    %swap3A_395 = arith.constant 0 : index
    %swap3A_396 = arith.constant 0 : index
    %swap3A_397 = arith.constant 14 : index
    %swap3A_398 = vector.load %arg4[%swap3A_395, %swap3A_396, %swap3A_397] : memref<1x128x16xi32, #tpu.memory_space<vmem>>, vector<1x128x1xi32>
    %swap3A_399 = vector.shape_cast %swap3A_398 : vector<1x128x1xi32> to vector<128x1xi32>
    %swap3A_400 = vector.shape_cast %add3A_394 : vector<128x1xi32> to vector<1x128x1xi32>
    tpu.vector_store %arg4[%swap3A_395, %swap3A_396, %swap3A_397], %swap3A_400 {strides = array<i32>} : memref<1x128x16xi32, #tpu.memory_space<vmem>>, vector<1x128x1xi32>,
    %eq3A_401 = vector.broadcast %broadcast_in_dim3A_391 : vector<128x1xf32> to vector<128x4096xf32>
    %eq3A_402 = arith.cmpf oeq, %convert_element_type3A, %eq3A_401 : vector<128x4096xf32>
    %jit3A_403 = arith.constant 0x7F800000 : f32
    %broadcast_in_dim3A_404 = vector.broadcast %jit3A_403 : f32 to vector<128x4096xf32>
    %select_n3A_405 = arith.select %eq3A_402, %broadcast_in_dim3A_404, %select_n3A_380 : vector<128x4096xi1>, vector<128x4096xf32>
    %reduce_min3A_406 = arith.constant dense<0x7F800000> : vector<128xf32>
    %reduce_min3A_407 = vector.multi_reduction <minimumf>, %select_n3A_405, %reduce_min3A_406 [1] : vector<128x4096xf32> to vector<128xf32>
    %broadcast_in_dim3A_408 = vector.shape_cast %reduce_min3A_407 : vector<128xf32> to vector<128x1xf32>
    %eq3A_409 = vector.broadcast %broadcast_in_dim3A_408 : vector<128x1xf32> to vector<128x4096xf32>
    %eq3A_410 = arith.cmpf oeq, %select_n3A_405, %eq3A_409 : vector<128x4096xf32>
    %jit3A_411 = arith.constant 4.096000e+03 : f32
    %broadcast_in_dim3A_412 = vector.broadcast %jit3A_411 : f32 to vector<128x4096xf32>
    %select_n3A_413 = arith.select %eq3A_410, %convert_element_type3A, %broadcast_in_dim3A_412 : vector<128x4096xi1>, vector<128x4096xf32>
    %reduce_min3A_414 = arith.constant dense<0x7F800000> : vector<128xf32>
    %reduce_min3A_415 = vector.multi_reduction <minimumf>, %select_n3A_413, %reduce_min3A_414 [1] : vector<128x4096xf32> to vector<128xf32>
    %broadcast_in_dim3A_416 = vector.shape_cast %reduce_min3A_415 : vector<128xf32> to vector<128x1xf32>
    %convert_element_type3A_417 = arith.fptosi %broadcast_in_dim3A_416 : vector<128x1xf32> to vector<128x1xi32>
    %add3A_418 = vector.broadcast %mul3A_32 : i32 to vector<128x1xi32>
    %add3A_419 = arith.addi %convert_element_type3A_417, %add3A_418 : vector<128x1xi32>
    %swap3A_420 = arith.constant 0 : index
    %swap3A_421 = arith.constant 0 : index
    %swap3A_422 = arith.constant 15 : index
    %swap3A_423 = vector.load %arg4[%swap3A_420, %swap3A_421, %swap3A_422] : memref<1x128x16xi32, #tpu.memory_space<vmem>>, vector<1x128x1xi32>
    %swap3A_424 = vector.shape_cast %swap3A_423 : vector<1x128x1xi32> to vector<128x1xi32>
    %swap3A_425 = vector.shape_cast %add3A_419 : vector<128x1xi32> to vector<1x128x1xi32>
    tpu.vector_store %arg4[%swap3A_420, %swap3A_421, %swap3A_422], %swap3A_425 {strides = array<i32>} : memref<1x128x16xi32, #tpu.memory_space<vmem>>, vector<1x128x1xi32>,
    return
  }
  func.func @transform_0(%arg0: i32, %arg1: i32) -> (i32, i32, i32) {
    %c0_i32 = arith.constant 0 : i32
    %c0_i32_0 = arith.constant 0 : i32
    return %arg0, %arg1, %c0_i32 : i32, i32, i32
  }
  func.func @transform_1(%arg0: i32, %arg1: i32) -> (i32, i32, i32) {
    %c0_i32 = arith.constant 0 : i32
    %c0_i32_0 = arith.constant 0 : i32
    %c0_i32_1 = arith.constant 0 : i32
    return %arg0, %c0_i32, %c0_i32_0 : i32, i32, i32
  }
  func.func @transform_2(%arg0: i32, %arg1: i32) -> (i32, i32, i32) {
    %c0_i32 = arith.constant 0 : i32
    %c0_i32_0 = arith.constant 0 : i32
    return %arg0, %arg1, %c0_i32 : i32, i32, i32
  }
}

module attributes {stable_mosaic.version = 14 : i64} {
  func.func @_stats_body(%arg0: i32, %arg1: memref<512x256xf32, #tpu.memory_space<vmem>>, %arg2: memref<512x16xf32, #tpu.memory_space<vmem>>, %arg3: memref<144x144xf32, #tpu.memory_space<vmem>>, %arg4: memref<1x144xf32, #tpu.memory_space<vmem>>) attributes {dimension_semantics = [#tpu.dimension_semantics<arbitrary>], iteration_bounds = array<i64: 256>, scalar_prefetch = 0 : i64, scratch_operands = 0 : i64, tpu.core_type = #tpu.core_type<tc>, window_params = [{transform_indices = @transform_0, window_bounds = array<i64: 512, 256>}, {transform_indices = @transform_1, window_bounds = array<i64: 512, 16>}, {pipeline_mode = #tpu.pipeline_mode<synchronous>, transform_indices = @transform_2, window_bounds = array<i64: 144, 144>}, {pipeline_mode = #tpu.pipeline_mode<synchronous>, transform_indices = @transform_3, window_bounds = array<i64: 1, 144>}]} {
    %get3A = arith.constant 0 : index
    %get3A_0 = arith.constant 0 : index
    %get3A_1 = vector.load %arg1[%get3A, %get3A_0] : memref<512x256xf32, #tpu.memory_space<vmem>>, vector<512x128xf32>
    %get3A_2 = arith.constant 0 : index
    %get3A_3 = arith.constant 128 : index
    %get3A_4 = vector.load %arg1[%get3A_2, %get3A_3] : memref<512x256xf32, #tpu.memory_space<vmem>>, vector<512x16xf32>
    %get3A_5 = arith.constant 0 : index
    %get3A_6 = arith.constant 0 : index
    %get3A_7 = vector.load %arg2[%get3A_5, %get3A_6] : memref<512x16xf32, #tpu.memory_space<vmem>>, vector<512x16xf32>
    %sub3A = arith.subf %get3A_4, %get3A_7 : vector<512x16xf32>
    %concatenate3A = tpu.concatenate %get3A_1, %sub3A in 1 : vector<512x128xf32>, vector<512x16xf32> -> vector<512x144xf32>
    %eq3A = arith.constant 0 : i32
    %eq3A_8 = arith.cmpi eq, %arg0, %eq3A : i32
    %convert_element_type3A = arith.extui %eq3A_8 : i1 to i32
    %cond3A = arith.constant 0 : i32
    %cond3A_9 = arith.cmpi ne, %convert_element_type3A, %cond3A : i32
    scf.if %cond3A_9 {
      %broadcast_in_dim3A_24 = arith.constant 0.000000e+00 : f32
      %broadcast_in_dim3A_25 = vector.broadcast %broadcast_in_dim3A_24 : f32 to vector<144x144xf32>
      %swap3A_26 = arith.constant 0 : index
      %swap3A_27 = arith.constant 0 : index
      %swap3A_28 = vector.load %arg3[%swap3A_26, %swap3A_27] : memref<144x144xf32, #tpu.memory_space<vmem>>, vector<144x144xf32>
      tpu.vector_store %arg3[%swap3A_26, %swap3A_27], %broadcast_in_dim3A_25 {strides = array<i32>} : memref<144x144xf32, #tpu.memory_space<vmem>>, vector<144x144xf32>,
      %broadcast_in_dim3A_29 = arith.constant 0.000000e+00 : f32
      %broadcast_in_dim3A_30 = vector.broadcast %broadcast_in_dim3A_29 : f32 to vector<1x144xf32>
      %swap3A_31 = arith.constant 0 : index
      %swap3A_32 = arith.constant 0 : index
      %swap3A_33 = vector.load %arg4[%swap3A_31, %swap3A_32] : memref<1x144xf32, #tpu.memory_space<vmem>>, vector<1x144xf32>
      tpu.vector_store %arg4[%swap3A_31, %swap3A_32], %broadcast_in_dim3A_30 {strides = array<i32>} : memref<1x144xf32, #tpu.memory_space<vmem>>, vector<1x144xf32>,
    } else {
    }
    %get3A_10 = arith.constant 0 : index
    %get3A_11 = arith.constant 0 : index
    %get3A_12 = vector.load %arg3[%get3A_10, %get3A_11] : memref<144x144xf32, #tpu.memory_space<vmem>>, vector<144x144xf32>
    %dot_general3A = arith.constant dense<0.000000e+00> : vector<144x144xf32>
    %dot_general3A_13 = tpu.matmul %concatenate3A, %concatenate3A, %dot_general3A {dimension_numbers = #tpu.dot_dimension_numbers<[0], [0], [1], [1], [0, 1, 1, 1], [], []>, transpose_lhs_hint = false} : vector<512x144xf32>, vector<512x144xf32>, vector<144x144xf32> -> vector<144x144xf32>
    %add3A = arith.addf %get3A_12, %dot_general3A_13 : vector<144x144xf32>
    %swap3A = arith.constant 0 : index
    %swap3A_14 = arith.constant 0 : index
    %swap3A_15 = vector.load %arg3[%swap3A, %swap3A_14] : memref<144x144xf32, #tpu.memory_space<vmem>>, vector<144x144xf32>
    tpu.vector_store %arg3[%swap3A, %swap3A_14], %add3A {strides = array<i32>} : memref<144x144xf32, #tpu.memory_space<vmem>>, vector<144x144xf32>,
    %get3A_16 = arith.constant 0 : index
    %get3A_17 = arith.constant 0 : index
    %get3A_18 = vector.load %arg4[%get3A_16, %get3A_17] : memref<1x144xf32, #tpu.memory_space<vmem>>, vector<1x144xf32>
    %reduce_sum3A = arith.constant dense<0.000000e+00> : vector<144xf32>
    %reduce_sum3A_19 = vector.multi_reduction <add>, %concatenate3A, %reduce_sum3A [0] : vector<512x144xf32> to vector<144xf32>
    %broadcast_in_dim3A = vector.shape_cast %reduce_sum3A_19 : vector<144xf32> to vector<1x144xf32>
    %add3A_20 = arith.addf %get3A_18, %broadcast_in_dim3A : vector<1x144xf32>
    %swap3A_21 = arith.constant 0 : index
    %swap3A_22 = arith.constant 0 : index
    %swap3A_23 = vector.load %arg4[%swap3A_21, %swap3A_22] : memref<1x144xf32, #tpu.memory_space<vmem>>, vector<1x144xf32>
    tpu.vector_store %arg4[%swap3A_21, %swap3A_22], %add3A_20 {strides = array<i32>} : memref<1x144xf32, #tpu.memory_space<vmem>>, vector<1x144xf32>,
    return
  }
  func.func @transform_0(%arg0: i32) -> (i32, i32) {
    %c0_i32 = arith.constant 0 : i32
    %c0_i32_0 = arith.constant 0 : i32
    return %arg0, %c0_i32 : i32, i32
  }
  func.func @transform_1(%arg0: i32) -> (i32, i32) {
    %c0_i32 = arith.constant 0 : i32
    %c0_i32_0 = arith.constant 0 : i32
    return %arg0, %c0_i32 : i32, i32
  }
  func.func @transform_2(%arg0: i32) -> (i32, i32) {
    %c0_i32 = arith.constant 0 : i32
    %c0_i32_0 = arith.constant 0 : i32
    %c0_i32_1 = arith.constant 0 : i32
    return %c0_i32, %c0_i32_0 : i32, i32
  }
  func.func @transform_3(%arg0: i32) -> (i32, i32) {
    %c0_i32 = arith.constant 0 : i32
    %c0_i32_0 = arith.constant 0 : i32
    %c0_i32_1 = arith.constant 0 : i32
    return %c0_i32, %c0_i32_0 : i32, i32
  }
}

module attributes {stable_mosaic.version = 14 : i64} {
  func.func @_mlp_body(%arg0: i32, %arg1: memref<512x256xf32, #tpu.memory_space<vmem>>, %arg2: memref<512x16xf32, #tpu.memory_space<vmem>>, %arg3: memref<144x256xf32, #tpu.memory_space<vmem>>, %arg4: memref<1x256xf32, #tpu.memory_space<vmem>>, %arg5: memref<256x256xf32, #tpu.memory_space<vmem>>, %arg6: memref<1x256xf32, #tpu.memory_space<vmem>>, %arg7: memref<32x256xf32, #tpu.memory_space<vmem>>, %arg8: memref<1x256xf32, #tpu.memory_space<vmem>>, %arg9: memref<1x256xf32, #tpu.memory_space<vmem>>) attributes {dimension_semantics = [#tpu.dimension_semantics<arbitrary>], iteration_bounds = array<i64: 256>, scalar_prefetch = 0 : i64, scratch_operands = 0 : i64, tpu.core_type = #tpu.core_type<tc>, window_params = [{transform_indices = @transform_0, window_bounds = array<i64: 512, 256>}, {transform_indices = @transform_1, window_bounds = array<i64: 512, 16>}, {pipeline_mode = #tpu.pipeline_mode<synchronous>, transform_indices = @transform_2, window_bounds = array<i64: 144, 256>}, {pipeline_mode = #tpu.pipeline_mode<synchronous>, transform_indices = @transform_3, window_bounds = array<i64: 1, 256>}, {pipeline_mode = #tpu.pipeline_mode<synchronous>, transform_indices = @transform_4, window_bounds = array<i64: 256, 256>}, {pipeline_mode = #tpu.pipeline_mode<synchronous>, transform_indices = @transform_5, window_bounds = array<i64: 1, 256>}, {transform_indices = @transform_6, window_bounds = array<i64: 32, 256>}, {pipeline_mode = #tpu.pipeline_mode<synchronous>, transform_indices = @transform_7, window_bounds = array<i64: 1, 256>}, {pipeline_mode = #tpu.pipeline_mode<synchronous>, transform_indices = @transform_8, window_bounds = array<i64: 1, 256>}]} {
    %get3A = arith.constant 0 : index
    %get3A_0 = arith.constant 0 : index
    %get3A_1 = vector.load %arg1[%get3A, %get3A_0] : memref<512x256xf32, #tpu.memory_space<vmem>>, vector<512x128xf32>
    %get3A_2 = arith.constant 0 : index
    %get3A_3 = arith.constant 128 : index
    %get3A_4 = vector.load %arg1[%get3A_2, %get3A_3] : memref<512x256xf32, #tpu.memory_space<vmem>>, vector<512x16xf32>
    %get3A_5 = arith.constant 0 : index
    %get3A_6 = arith.constant 0 : index
    %get3A_7 = vector.load %arg2[%get3A_5, %get3A_6] : memref<512x16xf32, #tpu.memory_space<vmem>>, vector<512x16xf32>
    %sub3A = arith.subf %get3A_4, %get3A_7 : vector<512x16xf32>
    %concatenate3A = tpu.concatenate %get3A_1, %sub3A in 1 : vector<512x128xf32>, vector<512x16xf32> -> vector<512x144xf32>
    %get3A_8 = arith.constant 0 : index
    %get3A_9 = arith.constant 0 : index
    %get3A_10 = vector.load %arg3[%get3A_8, %get3A_9] : memref<144x256xf32, #tpu.memory_space<vmem>>, vector<144x256xf32>
    %dot_general3A = arith.constant dense<0.000000e+00> : vector<512x256xf32>
    %dot_general3A_11 = tpu.matmul %concatenate3A, %get3A_10, %dot_general3A {dimension_numbers = #tpu.dot_dimension_numbers<[1], [0], [0], [1], [0, 0, 1, 1], [], []>, transpose_lhs_hint = false} : vector<512x144xf32>, vector<144x256xf32>, vector<512x256xf32> -> vector<512x256xf32>
    %get3A_12 = arith.constant 0 : index
    %get3A_13 = arith.constant 0 : index
    %get3A_14 = vector.load %arg4[%get3A_12, %get3A_13] : memref<1x256xf32, #tpu.memory_space<vmem>>, vector<1x256xf32>
    %add3A = vector.broadcast %get3A_14 : vector<1x256xf32> to vector<512x256xf32>
    %add3A_15 = arith.addf %dot_general3A_11, %add3A : vector<512x256xf32>
    %max3A = arith.constant 0.000000e+00 : f32
    %max3A_16 = vector.broadcast %max3A : f32 to vector<512x256xf32>
    %max3A_17 = arith.maximumf %add3A_15, %max3A_16 : vector<512x256xf32>
    %get3A_18 = arith.constant 0 : index
    %get3A_19 = arith.constant 0 : index
    %get3A_20 = vector.load %arg5[%get3A_18, %get3A_19] : memref<256x256xf32, #tpu.memory_space<vmem>>, vector<256x256xf32>
    %dot_general3A_21 = arith.constant dense<0.000000e+00> : vector<512x256xf32>
    %dot_general3A_22 = tpu.matmul %max3A_17, %get3A_20, %dot_general3A_21 {dimension_numbers = #tpu.dot_dimension_numbers<[1], [0], [0], [1], [0, 0, 1, 1], [], []>, transpose_lhs_hint = false} : vector<512x256xf32>, vector<256x256xf32>, vector<512x256xf32> -> vector<512x256xf32>
    %get3A_23 = arith.constant 0 : index
    %get3A_24 = arith.constant 0 : index
    %get3A_25 = vector.load %arg6[%get3A_23, %get3A_24] : memref<1x256xf32, #tpu.memory_space<vmem>>, vector<1x256xf32>
    %add3A_26 = vector.broadcast %get3A_25 : vector<1x256xf32> to vector<512x256xf32>
    %add3A_27 = arith.addf %dot_general3A_22, %add3A_26 : vector<512x256xf32>
    %eq3A = arith.constant 0 : i32
    %eq3A_28 = arith.cmpi eq, %arg0, %eq3A : i32
    %convert_element_type3A = arith.extui %eq3A_28 : i1 to i32
    %cond3A = arith.constant 0 : i32
    %cond3A_29 = arith.cmpi ne, %convert_element_type3A, %cond3A : i32
    scf.if %cond3A_29 {
      %broadcast_in_dim3A_51 = arith.constant 0.000000e+00 : f32
      %broadcast_in_dim3A_52 = vector.broadcast %broadcast_in_dim3A_51 : f32 to vector<1x256xf32>
      %swap3A_53 = arith.constant 0 : index
      %swap3A_54 = arith.constant 0 : index
      %swap3A_55 = vector.load %arg8[%swap3A_53, %swap3A_54] : memref<1x256xf32, #tpu.memory_space<vmem>>, vector<1x256xf32>
      tpu.vector_store %arg8[%swap3A_53, %swap3A_54], %broadcast_in_dim3A_52 {strides = array<i32>} : memref<1x256xf32, #tpu.memory_space<vmem>>, vector<1x256xf32>,
      %broadcast_in_dim3A_56 = arith.constant 0.000000e+00 : f32
      %broadcast_in_dim3A_57 = vector.broadcast %broadcast_in_dim3A_56 : f32 to vector<1x256xf32>
      %swap3A_58 = arith.constant 0 : index
      %swap3A_59 = arith.constant 0 : index
      %swap3A_60 = vector.load %arg9[%swap3A_58, %swap3A_59] : memref<1x256xf32, #tpu.memory_space<vmem>>, vector<1x256xf32>
      tpu.vector_store %arg9[%swap3A_58, %swap3A_59], %broadcast_in_dim3A_57 {strides = array<i32>} : memref<1x256xf32, #tpu.memory_space<vmem>>, vector<1x256xf32>,
    } else {
    }
    %get3A_30 = arith.constant 0 : index
    %get3A_31 = arith.constant 0 : index
    %get3A_32 = vector.load %arg8[%get3A_30, %get3A_31] : memref<1x256xf32, #tpu.memory_space<vmem>>, vector<1x256xf32>
    %reduce_sum3A = arith.constant dense<0.000000e+00> : vector<256xf32>
    %reduce_sum3A_33 = vector.multi_reduction <add>, %add3A_27, %reduce_sum3A [0] : vector<512x256xf32> to vector<256xf32>
    %broadcast_in_dim3A = vector.shape_cast %reduce_sum3A_33 : vector<256xf32> to vector<1x256xf32>
    %add3A_34 = arith.addf %get3A_32, %broadcast_in_dim3A : vector<1x256xf32>
    %swap3A = arith.constant 0 : index
    %swap3A_35 = arith.constant 0 : index
    %swap3A_36 = vector.load %arg8[%swap3A, %swap3A_35] : memref<1x256xf32, #tpu.memory_space<vmem>>, vector<1x256xf32>
    tpu.vector_store %arg8[%swap3A, %swap3A_35], %add3A_34 {strides = array<i32>} : memref<1x256xf32, #tpu.memory_space<vmem>>, vector<1x256xf32>,
    %get3A_37 = arith.constant 0 : index
    %get3A_38 = arith.constant 0 : index
    %get3A_39 = vector.load %arg9[%get3A_37, %get3A_38] : memref<1x256xf32, #tpu.memory_space<vmem>>, vector<1x256xf32>
    %mul3A = arith.mulf %add3A_27, %add3A_27 : vector<512x256xf32>
    %reduce_sum3A_40 = arith.constant dense<0.000000e+00> : vector<256xf32>
    %reduce_sum3A_41 = vector.multi_reduction <add>, %mul3A, %reduce_sum3A_40 [0] : vector<512x256xf32> to vector<256xf32>
    %broadcast_in_dim3A_42 = vector.shape_cast %reduce_sum3A_41 : vector<256xf32> to vector<1x256xf32>
    %add3A_43 = arith.addf %get3A_39, %broadcast_in_dim3A_42 : vector<1x256xf32>
    %swap3A_44 = arith.constant 0 : index
    %swap3A_45 = arith.constant 0 : index
    %swap3A_46 = vector.load %arg9[%swap3A_44, %swap3A_45] : memref<1x256xf32, #tpu.memory_space<vmem>>, vector<1x256xf32>
    tpu.vector_store %arg9[%swap3A_44, %swap3A_45], %add3A_43 {strides = array<i32>} : memref<1x256xf32, #tpu.memory_space<vmem>>, vector<1x256xf32>,
    %reshape3A = vector.shape_cast %add3A_27 : vector<512x256xf32> to vector<32x16x256xf32>
    %reduce_max3A = arith.constant dense<0xFF800000> : vector<32x256xf32>
    %reduce_max3A_47 = vector.multi_reduction <maximumf>, %reshape3A, %reduce_max3A [1] : vector<32x16x256xf32> to vector<32x256xf32>
    %swap3A_48 = arith.constant 0 : index
    %swap3A_49 = arith.constant 0 : index
    %swap3A_50 = vector.load %arg7[%swap3A_48, %swap3A_49] : memref<32x256xf32, #tpu.memory_space<vmem>>, vector<32x256xf32>
    tpu.vector_store %arg7[%swap3A_48, %swap3A_49], %reduce_max3A_47 {strides = array<i32>} : memref<32x256xf32, #tpu.memory_space<vmem>>, vector<32x256xf32>,
    return
  }
  func.func @transform_0(%arg0: i32) -> (i32, i32) {
    %c0_i32 = arith.constant 0 : i32
    %c0_i32_0 = arith.constant 0 : i32
    return %arg0, %c0_i32 : i32, i32
  }
  func.func @transform_1(%arg0: i32) -> (i32, i32) {
    %c0_i32 = arith.constant 0 : i32
    %c0_i32_0 = arith.constant 0 : i32
    return %arg0, %c0_i32 : i32, i32
  }
  func.func @transform_2(%arg0: i32) -> (i32, i32) {
    %c0_i32 = arith.constant 0 : i32
    %c0_i32_0 = arith.constant 0 : i32
    %c0_i32_1 = arith.constant 0 : i32
    return %c0_i32, %c0_i32_0 : i32, i32
  }
  func.func @transform_3(%arg0: i32) -> (i32, i32) {
    %c0_i32 = arith.constant 0 : i32
    %c0_i32_0 = arith.constant 0 : i32
    %c0_i32_1 = arith.constant 0 : i32
    return %c0_i32, %c0_i32_0 : i32, i32
  }
  func.func @transform_4(%arg0: i32) -> (i32, i32) {
    %c0_i32 = arith.constant 0 : i32
    %c0_i32_0 = arith.constant 0 : i32
    %c0_i32_1 = arith.constant 0 : i32
    return %c0_i32, %c0_i32_0 : i32, i32
  }
  func.func @transform_5(%arg0: i32) -> (i32, i32) {
    %c0_i32 = arith.constant 0 : i32
    %c0_i32_0 = arith.constant 0 : i32
    %c0_i32_1 = arith.constant 0 : i32
    return %c0_i32, %c0_i32_0 : i32, i32
  }
  func.func @transform_6(%arg0: i32) -> (i32, i32) {
    %c0_i32 = arith.constant 0 : i32
    %c0_i32_0 = arith.constant 0 : i32
    return %arg0, %c0_i32 : i32, i32
  }
  func.func @transform_7(%arg0: i32) -> (i32, i32) {
    %c0_i32 = arith.constant 0 : i32
    %c0_i32_0 = arith.constant 0 : i32
    %c0_i32_1 = arith.constant 0 : i32
    return %c0_i32, %c0_i32_0 : i32, i32
  }
  func.func @transform_8(%arg0: i32) -> (i32, i32) {
    %c0_i32 = arith.constant 0 : i32
    %c0_i32_0 = arith.constant 0 : i32
    %c0_i32_1 = arith.constant 0 : i32
    return %c0_i32, %c0_i32_0 : i32, i32
  }
}

module attributes {stable_mosaic.version = 14 : i64} {
  func.func @_final_body(%arg0: i32, %arg1: memref<2048x256xf32, #tpu.memory_space<vmem>>, %arg2: memref<1x256xf32, #tpu.memory_space<vmem>>, %arg3: memref<1x256xf32, #tpu.memory_space<vmem>>, %arg4: memref<2048x256xf32, #tpu.memory_space<vmem>>) attributes {dimension_semantics = [#tpu.dimension_semantics<arbitrary>], iteration_bounds = array<i64: 4>, scalar_prefetch = 0 : i64, scratch_operands = 0 : i64, tpu.core_type = #tpu.core_type<tc>, window_params = [{transform_indices = @transform_0, window_bounds = array<i64: 2048, 256>}, {pipeline_mode = #tpu.pipeline_mode<synchronous>, transform_indices = @transform_1, window_bounds = array<i64: 1, 256>}, {pipeline_mode = #tpu.pipeline_mode<synchronous>, transform_indices = @transform_2, window_bounds = array<i64: 1, 256>}, {transform_indices = @transform_3, window_bounds = array<i64: 2048, 256>}]} {
    %get3A = arith.constant 0 : index
    %get3A_0 = arith.constant 0 : index
    %get3A_1 = vector.load %arg2[%get3A, %get3A_0] : memref<1x256xf32, #tpu.memory_space<vmem>>, vector<1x256xf32>
    %get3A_2 = arith.constant 0 : index
    %get3A_3 = arith.constant 0 : index
    %get3A_4 = vector.load %arg1[%get3A_2, %get3A_3] : memref<2048x256xf32, #tpu.memory_space<vmem>>, vector<2048x256xf32>
    %mul3A = vector.broadcast %get3A_1 : vector<1x256xf32> to vector<2048x256xf32>
    %mul3A_5 = arith.mulf %mul3A, %get3A_4 : vector<2048x256xf32>
    %get3A_6 = arith.constant 0 : index
    %get3A_7 = arith.constant 0 : index
    %get3A_8 = vector.load %arg3[%get3A_6, %get3A_7] : memref<1x256xf32, #tpu.memory_space<vmem>>, vector<1x256xf32>
    %add3A = vector.broadcast %get3A_8 : vector<1x256xf32> to vector<2048x256xf32>
    %add3A_9 = arith.addf %mul3A_5, %add3A : vector<2048x256xf32>
    %max3A = arith.constant 0.000000e+00 : f32
    %max3A_10 = vector.broadcast %max3A : f32 to vector<2048x256xf32>
    %max3A_11 = arith.maximumf %add3A_9, %max3A_10 : vector<2048x256xf32>
    %swap3A = arith.constant 0 : index
    %swap3A_12 = arith.constant 0 : index
    %swap3A_13 = vector.load %arg4[%swap3A, %swap3A_12] : memref<2048x256xf32, #tpu.memory_space<vmem>>, vector<2048x256xf32>
    tpu.vector_store %arg4[%swap3A, %swap3A_12], %max3A_11 {strides = array<i32>} : memref<2048x256xf32, #tpu.memory_space<vmem>>, vector<2048x256xf32>,
    return
  }
  func.func @transform_0(%arg0: i32) -> (i32, i32) {
    %c0_i32 = arith.constant 0 : i32
    %c0_i32_0 = arith.constant 0 : i32
    return %arg0, %c0_i32 : i32, i32
  }
  func.func @transform_1(%arg0: i32) -> (i32, i32) {
    %c0_i32 = arith.constant 0 : i32
    %c0_i32_0 = arith.constant 0 : i32
    %c0_i32_1 = arith.constant 0 : i32
    return %c0_i32, %c0_i32_0 : i32, i32
  }
  func.func @transform_2(%arg0: i32) -> (i32, i32) {
    %c0_i32 = arith.constant 0 : i32
    %c0_i32_0 = arith.constant 0 : i32
    %c0_i32_1 = arith.constant 0 : i32
    return %c0_i32, %c0_i32_0 : i32, i32
  }
  func.func @transform_3(%arg0: i32) -> (i32, i32) {
    %c0_i32 = arith.constant 0 : i32
    %c0_i32_0 = arith.constant 0 : i32
    return %arg0, %c0_i32 : i32, i32
  }
}

</mosaic_0001>

<sc_bundles>
// kernel: kernel.8.cloned.1.call-start
scs
__scs_entry_jumppad:
0x0: {  	(pc) =	sbr.rel $0x88, $3  }
0x1: {  	(tag) =	ssettag $0x0;
	lr =	simm.s32 $0x1  }
0x2: {  	[smem:$0x3F97] =	sst lr;
	_ =	strace $0xD0000000  }
0x3: {  	_ = 	snop  }
0x4: {  	_ = 	snop  }
0x5: {  	_ = 	snop  }
0x6: {  	_ = 	snop  }
0x7: {  	_ = 	snop  }
__scs_overlays_trampoline_lowered:
0x8: {  	[smem:$0x3FA6] =	sst s0  }
0x9: {  	[smem:$0x3FA7] =	sst s1  }
0xa: {  	[smem:$0x3FA8] =	sst s2  }
0xb: {  	[smem:$0x3FA9] =	sst s3  }
0xc: {  	[smem:$0x3FAA] =	sst s4  }
0xd: {  	[smem:$0x3FAB] =	sst s5  }
0xe: {  	[smem:$0x3FAC] =	sst s6  }
0xf: {  	[smem:$0x3FAD] =	sst s7  }
0x10: {  	[smem:$0x3FAE] =	sst s8  }
0x11: {  	[smem:$0x3FAF] =	sst s9;
	s0 =	simm.s32 @!p0 $0x0  }
0x12: {  	s1 =	sld [smem:$0x3F95];
	s0 =	simm.s32 @p0 $0x1  }
0x13: {  	[smem:$0x3FB0] =	sst s0;
	s0 =	simm.s32 @!p1 $0x0  }
0x14: {  	s2 =	sld [smem:$0x3F94];
	s0 =	simm.s32 @p1 $0x1  }
0x15: {  	[smem:$0x3FB1] =	sst s0;
	s0 =	simm.s32 @!p2 $0x0  }
0x16: {  	s3 =	sld [smem:$0x3FDB];
	s0 =	simm.s32 @p2 $0x1  }
0x17: {  	s4 =	simm.s32 $0x1BF5;
	[smem:$0x3FB3] =	sst s0  }
0x18: {  	s0 =	sld [smem:$0x3F96];
	_ =	swait.ge [sflag:s4], $0x0  }
0x19: {  	s7 =	sld [smem:$0x3F97]  }
0x1a: {  	s8 =	sadd.s32 $0xFFFFE003, lr  }
0x1b: {  	s9 =	sadd.s32 $0xFFFFFEF7, lr;
	s5 =	simm.s32 $0xFFFFFFFF;
	p2 =	slt.u32 s8, $0xFFFFF086  }
0x1c: {  	p1 =	slt.u32 s9, $0xF7A;
	s5 =	simm.s32 @!p2 $0x0  }
0x1d: {  	s5 =	simm.s32 @p1 $0x1;
	p0 =	seq.s32 s7, s2  }
0x1e: {  	s7 =	smul.u32 @!p0 $0xF7A, s2;
	p2 =	seq.s32 @!p0 s5, $0x0  }
0x1f: {  	s9 =	smul.u32 $0xF7A, s1;
	s8 =	simm.s32 @!p0 $0x1BF5;
	p2 =	por !p2, p0  }
0x20: {  	[sflag:s8] =	ssyncset.s32 @!p0 $0xFFFFF086;
	s6 =	sadd.s32 @!p0 s3, s7;
	s7 =	simm.s32 @!p0 $0x108  }
0x21: {  	s3 =	sadd.s32 s3, s9;
	s6 =	sadd.s32 @!p0 $0x88, s6;
	s7 =	simm.s32 @p2 $0x1082  }
0x22: {  	[simem:s7], [sflag:s8] =	dma.local @!p0 [hbm:s6], $0xF7A  }
0x23: {  	s9 =	sor.u32 $0xD0000000, s2;
	s6 =	simm.s32 $0x108;
	_ =	swait.ge @!p0 [sflag:s8], $0x0  }
0x24: {  	s3 =	sadd.s32 $0x88, s3;
	s6 =	simm.s32 @!p1 $0x1082;
	[sflag:s4] =	ssyncset.s32 $0xFFFFF086  }
0x25: {  	[simem:s6], [sflag:s4] =	dma.local [hbm:s3], $0xF7A  }
0x26: {  	[smem:$0x3F97] =	sst s1;
	(tag) =	ssettag s2;
	_ =	strace s9  }
0x27: {  	s1 =	sld [smem:$0x3FA7]  }
0x28: {  	s2 =	sld [smem:$0x3FA8]  }
0x29: {  	s4 =	sld [smem:$0x3FAA]  }
0x2a: {  	p0 =	seq.s32 s5, $0x0;
	s5 =	sld [smem:$0x3FAB]  }
0x2b: {  	s6 =	sld [smem:$0x3FAC]  }
0x2c: {  	s7 =	sld [smem:$0x3FAD]  }
0x2d: {  	s3 =	simm.s32 $0x108;
	s8 =	sld [smem:$0x3FAE]  }
0x2e: {  	s3 =	simm.s32 @!p0 $0x1082;
	s9 =	sld [smem:$0x3FAF]  }
0x2f: {  	lr =	sadd.s32 s0, s3;
	s0 =	sld [smem:$0x3FA6]  }
0x30: {  	s3 =	sld [smem:$0x3FA9]  }
0x31: {  	[smem:$0x3FB2] =	sst s10  }
0x32: {  	s10 =	sld [smem:$0x3FB0];
	_ =	sdelay $0x3  }
0x33: {  	p0 =	seq.s32 s10, $0x1;
	s10 =	sld [smem:$0x3FB2];
	_ =	sdelay $0x3  }
0x34: {  	[smem:$0x3FB2] =	sst s10  }
0x35: {  	s10 =	sld [smem:$0x3FB1];
	_ =	sdelay $0x3  }
0x36: {  	p1 =	seq.s32 s10, $0x1;
	s10 =	sld [smem:$0x3FB2];
	_ =	sdelay $0x3  }
0x37: {  	[smem:$0x3FB2] =	sst s10  }
0x38: {  	s10 =	sld [smem:$0x3FB3]  }
0x39: {  	_ = 	snop;
	(pc) =	sbr.ind lr, $3  }
0x3a: {  	_ = 	snop  }
0x3b: {  	_ = 	snop  }
0x3c: {  	p2 =	seq.s32 s10, $0x1;
	s10 =	sld [smem:$0x3FB2]  }
0x3d: {  	_ =	shalt  }
0x3e: {  	_ =	shalt  }
0x3f: {  	_ =	shalt  }
0x40: {  	_ =	shalt  }
0x41: {  	_ =	shalt  }
0x42: {  	_ =	shalt  }
0x43: {  	_ =	shalt  }
0x44: {  	_ =	shalt  }
0x45: {  	_ =	shalt  }
0x46: {  	_ =	shalt  }
0x47: {  	_ =	shalt  }
0x48: {  	_ =	shalt  }
0x49: {  	_ =	shalt  }
0x4a: {  	_ =	shalt  }
0x4b: {  	_ =	shalt  }
0x4c: {  	_ =	shalt  }
0x4d: {  	_ =	shalt  }
0x4e: {  	_ =	shalt  }
0x4f: {  	_ =	shalt  }
0x50: {  	_ =	shalt  }
0x51: {  	_ =	shalt  }
0x52: {  	_ =	shalt  }
0x53: {  	_ =	shalt  }
0x54: {  	_ =	shalt  }
0x55: {  	_ =	shalt  }
0x56: {  	_ =	shalt  }
0x57: {  	_ =	shalt  }
0x58: {  	_ =	shalt  }
0x59: {  	_ =	shalt  }
0x5a: {  	_ =	shalt  }
0x5b: {  	_ =	shalt  }
0x5c: {  	_ =	shalt  }
0x5d: {  	_ =	shalt  }
0x5e: {  	_ =	shalt  }
0x5f: {  	_ =	shalt  }
0x60: {  	_ =	shalt  }
0x61: {  	_ =	shalt  }
0x62: {  	_ =	shalt  }
0x63: {  	_ =	shalt  }
0x64: {  	_ =	shalt  }
0x65: {  	_ =	shalt  }
0x66: {  	_ =	shalt  }
0x67: {  	_ =	shalt  }
0x68: {  	_ =	shalt  }
0x69: {  	_ =	shalt  }
0x6a: {  	_ =	shalt  }
0x6b: {  	_ =	shalt  }
0x6c: {  	_ =	shalt  }
0x6d: {  	_ =	shalt  }
0x6e: {  	_ =	shalt  }
0x6f: {  	_ =	shalt  }
0x70: {  	_ =	shalt  }
0x71: {  	_ =	shalt  }
0x72: {  	_ =	shalt  }
0x73: {  	_ =	shalt  }
0x74: {  	_ =	shalt  }
0x75: {  	_ =	shalt  }
0x76: {  	_ =	shalt  }
0x77: {  	_ =	shalt  }
0x78: {  	_ =	shalt  }
0x79: {  	_ =	shalt  }
0x7a: {  	_ =	shalt  }
0x7b: {  	_ =	shalt  }
0x7c: {  	_ =	shalt  }
0x7d: {  	_ =	shalt  }
0x7e: {  	_ =	shalt  }
0x7f: {  	_ =	shalt  }
0x80: {  	_ =	shalt  }
0x81: {  	_ =	shalt  }
0x82: {  	_ =	shalt  }
0x83: {  	_ =	shalt  }
0x84: {  	_ =	shalt  }
0x85: {  	_ =	shalt  }
0x86: {  	_ =	shalt  }
0x87: {  	_ =	shalt  }
.Lfunc_end0:
.L_simem_size_0:
called_computation_lowered:
.L_overlay_start_0:
0x88: {  	s2 =	sld [smem:$0x3FD9]  }
0x89: {  	s3 =	sld [smem:$0x3FFE];
	_ =	sdelay $0x1  }
0x8a: {  	s1 =	srdreg.scid  }
0x8b: {  	s0 =	sand.u32 $0x1, s1  }
0x8c: {  	s14 =	sshll.u32 s0, $0xA;
	s2 =	sadd.s32 s3, s2  }
0x8d: {  	s2 =	sadd.s32 s2, s14  }
0x8e: {  	[smem:$0x3FBE] =	sst s2  }
0x8f: {  	_ = 	snop  }
0x90: {  	s2 =	sld [smem:$0x3FD0];
	_ =	sdelay $0x2  }
0x91: {  	s15 =	simm.s32 $0xA;
	s4 =	simm.s32 $0x10  }
0x92: {  	[smem:s4], [sflag:s15] =	dma.local [hbm:s2], $0x1  }
0x93: {  	_ =	swait.eq [sflag:s15], $0x1  }
0x94: {  	[sflag:s15] =	ssyncset.done $0x0  }
0x95: {  	[sflag:s15] =	ssyncadd.s32 $0xFFFFFFFF  }
0x96: {  	s16 =	sld [smem:$0x10];
	(tm) =	ssettm $0x1  }
0x97: {  	s17 =	sld [smem:$0x3FFB];
	_ =	sdelay $0x3  }
0x98: {  	_ =	strace s17  }
0x99: {  	s3 =	sld [smem:$0x3FFC];
	_ =	sdelay $0x3  }
0x9a: {  	_ =	strace s3  }
0x9b: {  	s3 =	sld [smem:$0x3FFD];
	_ =	sdelay $0x3  }
0x9c: {  	_ =	strace s3  }
0x9d: {  	_ =	strace $0x8FFFFFFF  }
0x9e: {  	s18 =	sld [smem:$0x3FDB];
	_ =	sdelay $0x1  }
0x9f: {  	s19 =	simm.s32 $_scs_section_size  }
0xa0: {  	s5 =	simm.s32 $_size__tile_overlayer_lowered;
	s6 =	simm.s32 $_tile_overlayer_lowered  }
0xa1: {  	s22 =	simm.s32 $0x1BFF;
	s21 =	sshll.u32 s6, $0x1;
	s3 =	sadd.s32 s19, s18  }
0xa2: {  	s7 =	simm.s32 $0x0;
	s20 =	sshll.u32 s5, $0x1;
	s5 =	sadd.s32 s21, s3  }
0xa3: {  	[timem:s7], [sflag:s22] =	dma.local [hbm:s5], s20  }
0xa4: {  	_ =	swait.ge [sflag:s22], s20  }
0xa5: {  	s4 =	ssub.s32 $0x0, s20;
	[sflag:s22] =	ssyncset.done $0x0  }
0xa6: {  	[sflag:s22] =	ssyncadd.s32 s4;
	_ =	sdelay $0x1  }
0xa7: {  	s23 =	simm.s32 $0x1B8B  }
0xa8: {  	_ =	swait.ge [sflag:s23], $0x1  }
0xa9: {  	[sflag:s23] =	ssyncset.done $0x0  }
0xaa: {  	s25 =	simm.s32 $0x1B8E;
	s24 =	sld [smem:$0x3FFE];
	[sflag:s23] =	ssyncadd.s32 $0xFFFFFFFF  }
0xab: {  	s26 =	simm.s32 $execute0_lowered;
	[smem:$0x3FD2] =	sst s25  }
0xac: {  	s5 =	sshll.u32 s26, $0x1;
	_ =	strace $0x80000046;
	[dreg:$0x1] =	wrdreg $0xFFFFFFFF  }
0xad: {  	s28 =	simm.s32 $_size_execute0_lowered;
	s3 =	sadd.s32 s3, s5;
	[dreg:$0x0] =	wrdreg $0x0  }
0xae: {  	s5 =	sshll.u32 s28, $0x1;
	[dreg:$0x2] =	wrdreg s3  }
0xaf: {  	[dreg:$0x3] =	wrdreg s5  }
0xb0: {  	[dreg:$0x4] =	wrdreg $0xC0  }
0xb1: {  	_ =	task [dreg:s7], $0x5FFFF  }
0xb2: {  	[dreg:$0x1] =	wrdreg $0xFFFFFFFF  }
0xb3: {  	[dreg:$0x0] =	wrdreg $0x60  }
0xb4: {  	[dreg:$0x2] =	wrdreg s24  }
0xb5: {  	[dreg:$0x3] =	wrdreg s16  }
0xb6: {  	[dreg:$0x4] =	wrdreg $0x9  }
0xb7: {  	_ =	task.clear_ibuf [dreg:s7], $0x5FFFF;
	_ =	strace $0x90000046  }
0xb8: {  	s29 =	simm.s32 $0x9;
	_ =	strace $0x80000048  }
0xb9: {  	_ =	swait.ge [sflag:s29], $0x1  }
0xba: {  	[sflag:s29] =	ssyncadd.s32 $0xFFFFFFFF  }
0xbb: {  	_ =	strace $0x90000048  }
0xbc: {  	_ =	sfence  }
0xbd: {  	s30 =	sld [smem:$0x0];
	_ =	sdelay $0x2  }
0xbe: {  	s31 =	sshll.u32 s1, $0xD;
	s1 =	sshrl.u32 s1, $0x2  }
0xbf: {  	s3 =	sand.u32 $0x4000, s31;
	s1 =	sadd.s32 s1, s30  }
0xc0: {  	s0 =	sor.u32 s3, s0;
	s1 =	sshll.u32 s1, $0x11  }
0xc1: {  	s0 =	sor.u32 s1, s0  }
0xc2: {  	s0 =	sadd.s32 $0x8F2B, s0  }
0xc3: {  	[sflag:s0] =	ssyncadd.remote.s32 $0x1  }
0xc4: {  	_ =	sfence.sel $0xFFFF  }
0xc5: {  	[dreg:$0x0] =	wrdreg $0xFFFFFFFF;
	(pc) =	sbr.abs _section_cstart, $3  }
0xc6: {  	[dreg:$0x1] =	wrdreg $0xFFFFFFFF  }
0xc7: {  	_ =	task.clear_ibuf [dreg:s7], $0x2FFFF;
	_ =	strace $0x9FFFFFFF  }
0xc8: {  	(tm) =	ssettm $0x7FFFFFFF  }
0xc9: {  	_ =	shalt  }
tec
execute0_lowered:
.L_overlay_start_1:
0x0: {  	(tag) =	ssettag $0x1  }
0x1: {  	s4 =	rddreg [dreg:$0x0]  }
0x2: {  	s5 =	rddreg [dreg:$0x1]  }
0x3: {  	s0 =	rddreg [dreg:$0x2]  }
0x4: {  	s2 =	simm.s32 $0x0;
	s1 =	stileid.u32;
	s7 =	srdreg.scid  }
0x5: {  	s11 =	simm.s32 $0x2800;
	s12 =	simm.s32 $0x3000;
	s13 =	simm.s32 $0x3800  }
0x6: {  	s14 =	simm.s32 $0x4000;
	s15 =	simm.s32 $0x4800;
	s16 =	simm.s32 $0x5000  }
0x7: {  	s17 =	simm.s32 $0x5800;
	s18 =	simm.s32 $0x6000;
	s19 =	simm.s32 $0x6800  }
0x8: {  	s20 =	simm.s32 $0x7000;
	s21 =	simm.s32 $0x7800;
	s22 =	simm.s32 $0x8000  }
0x9: {  	s23 =	simm.s32 $0x8800;
	s24 =	simm.s32 $0x1;
	s25 =	simm.s32 $0x0  }
0xa: {  	[smem:$0x7FF] =	sst s2;
	s6 =	sshll.u32 s1, $0x12;
	s3 =	sadd.s32 $0x4400, s4  }
0xb: {  	s30 =	sand.u32 $0x1, s7;
	s8 =	sshll.u32 s1, $0xA;
	_ =	strace $0x80000047  }
0xc: {  	s6 =	sadd.s32 s6, s4;
	s7 =	ssub.s32 $0x2, s30;
	s9 =	sshll.u32 s30, $0x9  }
0xd: {  	s31 =	sshll.u32 s30, $0x11;
	s10 =	sshrl.u32 s7, $0x1;
	s8 =	sor.u32 s9, s8  }
0xe: {  	v2 =	vlaneseq.u32;
	s6 =	sadd.s32 s31, s6;
	s9 =	simm.s32 $0x1800;
	s7 =	ssub.s32 s7, s10  }
0xf: {  	vm0 =	vmmov $0xffff;
	v1 =	vshrl.u32 v2, $0x3;
	s4 =	sadd.s32 s5, s8;
	s6 =	sadd.s32 $0x104400, s6;
	s8 =	simm.s32 $0x1000  }
0x10: {  	v0 =	vand.u32 $0x7, v2;
	v2 =	vor.u32 $0x8, v2;
	v1 =	vmul.u32 $0x8, v1;
	s10 =	simm.s32 $0x2000;
	s5 =	smax.u32 s7, $0x1;
	s7 =	simm.s32 $0x2  }
.LBB2_1:
0x11: {  	[tilespmem:s2], [sflag:$0x2] =	stream.linear.gather [hbm4b:s4+s2], $0x1000, $0x38;
	[tilespmem:$0x9000] =	vst v63  }
0x12: {  	_ =	swait.ge [sflag:s7], $0x1000  }
0x13: {  	[sflag:s7] =	ssyncset.done $0x0  }
0x14: {  	s26 =	simm.s32 $0x40;
	s28 =	simm.s32 $0x0;
	[sflag:s7] =	ssyncadd.s32 $0xFFFFF000  }
.LBB2_2:
0x15: {  	v3 =	vld [tilespmem:s26+$0xFFFFFFC0];
	_ =	sdelay $0x4  }
0x16: {  	v4 =	vshll.u32 v3, $0x1  }
0x17: {  	v3 =	vand.u32 $0x7, v3;
	v4 =	vand.u32 $0xFFFFFFF0, v4  }
0x18: {  	v3 =	vor.u32 v3, v4  }
0x19: {  	v4 =	vperm.xlane v3, v0;
	_ =	sdelay $0x1  }
0x1a: {  	v3 =	vperm.xlane v3, v2;
	v4 =	vadd.s32 v1, v4;
	_ =	sdelay $0x1  }
0x1b: {  	v3 =	vadd.s32 v1, v3;
	_ =	sdelay $0x2  }
0x1c: {  	[tilespmem:s8], [sflag:$0x1] =	stream.indirect_vreg.gather [hbm4b:s3+s2], $0x80, v4, vm0, $0xb8;
	[tilespmem:$0x9000] =	vst v63  }
0x1d: {  	_ = 	snop  }
0x1e: {  	[tilespmem:s9], [sflag:$0x1] =	stream.indirect_vreg.gather [hbm4b:s3+s2], $0x80, v3, vm0, $0xb8;
	[tilespmem:$0x9000] =	vst v63  }
0x1f: {  	v3 =	vld [tilespmem:s26+$0xFFFFFFD0];
	_ =	sdelay $0x4  }
0x20: {  	v57 =	vshll.u32 v3, $0x1  }
0x21: {  	v3 =	vand.u32 $0x7, v3;
	v4 =	vand.u32 $0xFFFFFFF0, v57  }
0x22: {  	v3 =	vor.u32 v3, v4  }
0x23: {  	v4 =	vperm.xlane v3, v0;
	_ =	sdelay $0x1  }
0x24: {  	v3 =	vperm.xlane v3, v2;
	v4 =	vadd.s32 v1, v4;
	_ =	sdelay $0x1  }
0x25: {  	v3 =	vadd.s32 v1, v3;
	_ =	sdelay $0x2  }
0x26: {  	[tilespmem:s10], [sflag:$0x1] =	stream.indirect_vreg.gather [hbm4b:s3+s2], $0x80, v4, vm0, $0xb8;
	[tilespmem:$0x9000] =	vst v63  }
0x27: {  	_ = 	snop  }
0x28: {  	[tilespmem:s11], [sflag:$0x1] =	stream.indirect_vreg.gather [hbm4b:s3+s2], $0x80, v3, vm0, $0xb8;
	[tilespmem:$0x9000] =	vst v63  }
0x29: {  	v3 =	vld [tilespmem:s26+$0xFFFFFFE0];
	_ =	sdelay $0x4  }
0x2a: {  	v58 =	vshll.u32 v3, $0x1  }
0x2b: {  	v3 =	vand.u32 $0x7, v3;
	v4 =	vand.u32 $0xFFFFFFF0, v58  }
0x2c: {  	v3 =	vor.u32 v3, v4  }
0x2d: {  	v4 =	vperm.xlane v3, v0;
	_ =	sdelay $0x1  }
0x2e: {  	v3 =	vperm.xlane v3, v2;
	v4 =	vadd.s32 v1, v4;
	_ =	sdelay $0x1  }
0x2f: {  	v3 =	vadd.s32 v1, v3;
	_ =	sdelay $0x2  }
0x30: {  	[tilespmem:s12], [sflag:$0x1] =	stream.indirect_vreg.gather [hbm4b:s3+s2], $0x80, v4, vm0, $0xb8;
	[tilespmem:$0x9000] =	vst v63  }
0x31: {  	_ = 	snop  }
0x32: {  	[tilespmem:s13], [sflag:$0x1] =	stream.indirect_vreg.gather [hbm4b:s3+s2], $0x80, v3, vm0, $0xb8;
	[tilespmem:$0x9000] =	vst v63  }
0x33: {  	v3 =	vld [tilespmem:s26+$0xFFFFFFF0];
	_ =	sdelay $0x4  }
0x34: {  	v59 =	vshll.u32 v3, $0x1  }
0x35: {  	v3 =	vand.u32 $0x7, v3;
	v4 =	vand.u32 $0xFFFFFFF0, v59  }
0x36: {  	v3 =	vor.u32 v3, v4  }
0x37: {  	v4 =	vperm.xlane v3, v0;
	_ =	sdelay $0x1  }
0x38: {  	v3 =	vperm.xlane v3, v2;
	v4 =	vadd.s32 v1, v4;
	_ =	sdelay $0x1  }
0x39: {  	v3 =	vadd.s32 v1, v3;
	_ =	sdelay $0x2  }
0x3a: {  	[tilespmem:s14], [sflag:$0x1] =	stream.indirect_vreg.gather [hbm4b:s3+s2], $0x80, v4, vm0, $0xb8;
	[tilespmem:$0x9000] =	vst v63  }
0x3b: {  	_ = 	snop  }
0x3c: {  	[tilespmem:s15], [sflag:$0x1] =	stream.indirect_vreg.gather [hbm4b:s3+s2], $0x80, v3, vm0, $0xb8;
	[tilespmem:$0x9000] =	vst v63  }
0x3d: {  	v3 =	vld [tilespmem:s26+$0x0];
	_ =	sdelay $0x4  }
0x3e: {  	v60 =	vshll.u32 v3, $0x1  }
0x3f: {  	v3 =	vand.u32 $0x7, v3;
	v4 =	vand.u32 $0xFFFFFFF0, v60  }
0x40: {  	v3 =	vor.u32 v3, v4  }
0x41: {  	v4 =	vperm.xlane v3, v0;
	_ =	sdelay $0x1  }
0x42: {  	v3 =	vperm.xlane v3, v2;
	v4 =	vadd.s32 v1, v4;
	_ =	sdelay $0x1  }
0x43: {  	v3 =	vadd.s32 v1, v3;
	_ =	sdelay $0x2  }
0x44: {  	[tilespmem:s16], [sflag:$0x1] =	stream.indirect_vreg.gather [hbm4b:s3+s2], $0x80, v4, vm0, $0xb8;
	[tilespmem:$0x9000] =	vst v63  }
0x45: {  	_ = 	snop  }
0x46: {  	[tilespmem:s17], [sflag:$0x1] =	stream.indirect_vreg.gather [hbm4b:s3+s2], $0x80, v3, vm0, $0xb8;
	[tilespmem:$0x9000] =	vst v63  }
0x47: {  	v3 =	vld [tilespmem:s26+$0x10];
	_ =	sdelay $0x4  }
0x48: {  	v61 =	vshll.u32 v3, $0x1  }
0x49: {  	v3 =	vand.u32 $0x7, v3;
	v4 =	vand.u32 $0xFFFFFFF0, v61  }
0x4a: {  	v3 =	vor.u32 v3, v4  }
0x4b: {  	v4 =	vperm.xlane v3, v0;
	_ =	sdelay $0x1  }
0x4c: {  	v3 =	vperm.xlane v3, v2;
	v4 =	vadd.s32 v1, v4;
	_ =	sdelay $0x1  }
0x4d: {  	v3 =	vadd.s32 v1, v3;
	_ =	sdelay $0x2  }
0x4e: {  	[tilespmem:s18], [sflag:$0x1] =	stream.indirect_vreg.gather [hbm4b:s3+s2], $0x80, v4, vm0, $0xb8;
	[tilespmem:$0x9000] =	vst v63  }
0x4f: {  	_ = 	snop  }
0x50: {  	[tilespmem:s19], [sflag:$0x1] =	stream.indirect_vreg.gather [hbm4b:s3+s2], $0x80, v3, vm0, $0xb8;
	[tilespmem:$0x9000] =	vst v63  }
0x51: {  	v3 =	vld [tilespmem:s26+$0x20];
	_ =	sdelay $0x4  }
0x52: {  	v62 =	vshll.u32 v3, $0x1  }
0x53: {  	v3 =	vand.u32 $0x7, v3;
	v4 =	vand.u32 $0xFFFFFFF0, v62  }
0x54: {  	v3 =	vor.u32 v3, v4  }
0x55: {  	v4 =	vperm.xlane v3, v0;
	_ =	sdelay $0x1  }
0x56: {  	v3 =	vperm.xlane v3, v2;
	v4 =	vadd.s32 v1, v4;
	_ =	sdelay $0x1  }
0x57: {  	v3 =	vadd.s32 v1, v3;
	_ =	sdelay $0x2  }
0x58: {  	[tilespmem:s20], [sflag:$0x1] =	stream.indirect_vreg.gather [hbm4b:s3+s2], $0x80, v4, vm0, $0xb8;
	[tilespmem:$0x9000] =	vst v63  }
0x59: {  	_ = 	snop  }
0x5a: {  	[tilespmem:s21], [sflag:$0x1] =	stream.indirect_vreg.gather [hbm4b:s3+s2], $0x80, v3, vm0, $0xb8;
	[tilespmem:$0x9000] =	vst v63  }
0x5b: {  	v3 =	vld [tilespmem:s26+$0x30];
	_ =	sdelay $0x4  }
0x5c: {  	v63 =	vshll.u32 v3, $0x1  }
0x5d: {  	v3 =	vand.u32 $0x7, v3;
	v4 =	vand.u32 $0xFFFFFFF0, v63  }
0x5e: {  	v3 =	vor.u32 v3, v4  }
0x5f: {  	v4 =	vperm.xlane v3, v0;
	_ =	sdelay $0x1  }
0x60: {  	v3 =	vperm.xlane v3, v2;
	v4 =	vadd.s32 v1, v4;
	_ =	sdelay $0x1  }
0x61: {  	v3 =	vadd.s32 v1, v3;
	_ =	sdelay $0x2  }
0x62: {  	[tilespmem:s22], [sflag:$0x1] =	stream.indirect_vreg.gather [hbm4b:s3+s2], $0x80, v4, vm0, $0xb8;
	[tilespmem:$0x9000] =	vst v63  }
0x63: {  	_ = 	snop  }
0x64: {  	[tilespmem:s23], [sflag:$0x1] =	stream.indirect_vreg.gather [hbm4b:s3+s2], $0x80, v3, vm0, $0xb8;
	[tilespmem:$0x9000] =	vst v63  }
0x65: {  	_ =	swait.ge [sflag:s24], $0x8000  }
0x66: {  	p0 =	sne.s32 s28, $0x1F000;
	[sflag:s24] =	ssyncset.done $0x0  }
.Ltmp0:
0x67: {  	s29 =	sadd.s32 s28, s6;
	[sflag:s24] =	ssyncadd.s32 $0xFFFF8000;
	(pc) =	sbr.rel @p0 .LBB2_2-.Ltmp0, $4  }
0x68: {  	[hbm4b:s29+s2] =	stream.linear.scatter [tilespmem:s8], [sflag:$0x2], $0x8000, $0x38;
	[tilespmem:$0x9000] =	vst v63  }
0x69: {  	_ =	swait.ge [sflag:s7], $0x8000  }
0x6a: {  	[sflag:s7] =	ssyncset.done $0x0  }
0x6b: {  	s28 =	sadd.s32 $0x1000, s28;
	s26 =	sadd.s32 $0x80, s26;
	[sflag:s7] =	ssyncadd.s32 $0xFFFF8000  }
0x6c: {  	s25 =	sadd.s32 $0x1, s25  }
0x6d: {  	p0 =	sne.s32 s25, s5  }
.Ltmp1:
0x6e: {  	_ = 	snop;
	(pc) =	sbr.rel @p0 .LBB2_1-.Ltmp1, $1  }
0x6f: {  	_ =	sdelay $0x3  }
0x70: {  	_ =	sfence.sel $0x180000  }
0x71: {  	[bflag:$0x0] =	sbarrier.arrive $0xFFFF  }
0x72: {  	p0 =	sne.s32 s1, $0x0;
	_ =	strace $0x90000047  }
0x73: {  	s0 =	sadd.s32 @!p0 $0x100000, s0;
	[bflag:$0x2] =	sbarrier.arrive $0xFFFF  }
0x74: {  	[sflag:s0] =	ssyncadd.tile.s32 @!p0 $0x1;
	_ =	shalt  }
.Lfunc_end2:
_tile_overlayer_lowered:
.L_overlay_start_2:
0x75: {  	(tag) =	ssettag $0x2  }
0x76: {  	s0 =	rddreg [dreg:$0x0];
	s2 =	stileid.u32  }
0x77: {  	s1 =	rddreg [dreg:$0x1];
	p0 =	sne.s32 s2, $0x0  }
0x78: {  	s3 =	rddreg [dreg:$0x2];
	[bflag:$0x3] =	sbarrier.arrive $0xFFFF;
	s2 =	simm.s32 @!p0 $0x1C02  }
0x79: {  	[timem:s3], [sflag:s2] =	dma.local @!p0 [hbm:s0], s1  }
0x7a: {  	s0 =	simm.s32 @!p0 $0x2  }
0x7b: {  	_ =	swait.ge @!p0 [sflag:s0], s1  }
0x7c: {  	s1 =	ssub.s32 @!p0 $0x0, s1;
	[sflag:s0] =	ssyncset.done @!p0 $0x0  }
0x7d: {  	[sflag:s0] =	ssyncadd.s32 @!p0 s1  }
0x7e: {  	[bflag:$0x3] =	sbarrier.arrive $0xFFFF  }
0x7f: {  	_ =	shalt  }

</sc_bundles>
